<compile_context>
chip_gen: v7x
topology: tpu7x:2x2x1
jax: 0.10.2.dev20260603
libtpu: 0.0.44.dev20260713+nightly
codegen_flags: <defaults>
</compile_context>

<pallas_src>
import functools

import jax
import jax.numpy as jnp
from jax import lax
from jax.experimental import pallas as pl
from jax.experimental.pallas import tpu as pltpu
from jax.experimental.pallas import tpu_sc as plsc

N = 10000
E = 320000
D_IN = 128
H2 = 64
NCLS = 16

_NC = 2
_NS = 16
_NW = _NC * _NS
_EPW = E // _NW
_CH = 80
_STEPS = _EPW // _CH
_PAIRS = (_STEPS - 1) // 2
_DGR = 80
_NROW = N + _DGR
_ROWS_A = 624
_TAIL = _NROW - _NS * _ROWS_A


def _make_seg_sum(d_feat, with_deg):
    mesh = plsc.VectorSubcoreMesh(core_axis_name="c", subcore_axis_name="s")
    nrow = _NROW if with_deg else N
    tail = nrow - _NS * _ROWS_A
    scratch = [
        pltpu.VMEM_SHARED((nrow, d_feat), jnp.float32),
        pltpu.VMEM((_STEPS, _CH), jnp.int32),
        pltpu.VMEM((2, _CH), jnp.int32),
        pltpu.VMEM((_CH, d_feat), jnp.float32),
        pltpu.VMEM((_CH, d_feat), jnp.float32),
        pltpu.SemaphoreType.DMA,
        pltpu.SemaphoreType.DMA,
        pltpu.SemaphoreType.DMA,
        pltpu.SemaphoreType.DMA,
    ]
    if with_deg:
        scratch += [
            pltpu.VMEM((_DGR, d_feat), jnp.float32),
            pltpu.VMEM((_DGR,), jnp.int32),
        ]

    @functools.partial(
        pl.kernel,
        mesh=mesh,
        compiler_params=pltpu.CompilerParams(
            use_tc_tiling_on_sc=False, needs_layout_passes=False),
        out_type=jax.ShapeDtypeStruct((_NC, nrow, d_feat), jnp.float32),
        scratch_types=scratch,
    )
    def seg_sum(feat_hbm, src_hbm, dst_hbm, zeros_hbm, degidx_hbm, out_hbm,
                acc_sh, dsts_v, sidx_v, buf_a, buf_b, sem_a, sem_b,
                sem_ia, sem_ib, *deg_scratch):
        cid = lax.axis_index("c")
        sid = lax.axis_index("s")
        wid = sid * _NC + cid

        base_r = pl.multiple_of(sid * _ROWS_A, 8)
        pltpu.sync_copy(zeros_hbm.at[pl.ds(base_r, _ROWS_A)],
                        acc_sh.at[pl.ds(base_r, _ROWS_A)])

        @pl.when(sid == _NS - 1)
        def _():
            t0 = pl.multiple_of(_NS * _ROWS_A, 8)
            pltpu.sync_copy(zeros_hbm.at[pl.ds(t0, tail)],
                            acc_sh.at[pl.ds(t0, tail)])

        pltpu.sync_copy(dst_hbm.at[wid], dsts_v)
        pltpu.sync_copy(src_hbm.at[wid, 0], sidx_v.at[0])
        pltpu.sync_copy(src_hbm.at[wid, 1], sidx_v.at[1])
        if with_deg:
            deg_v, degidx_v = deg_scratch
            pltpu.sync_copy(zeros_hbm.at[pl.ds(0, _DGR)], deg_v)
            pltpu.sync_copy(degidx_hbm, degidx_v)
            ones16 = jnp.ones((16,), jnp.float32)

        plsc.subcore_barrier()

        pltpu.async_copy(feat_hbm.at[sidx_v.at[0]], buf_a, sem_a)
        pltpu.async_copy(feat_hbm.at[sidx_v.at[1]], buf_b, sem_b)

        def count_deg(i):
            for j in range(_CH // 16):
                dv = dsts_v[i, pl.ds(16 * j, 16)]
                row = lax.shift_right_logical(dv, 7)
                col = lax.bitwise_and(dv, 127)
                plsc.addupdate_scatter(deg_v, [row, col], ones16)

        def half(i, buf, sem_g, slot, sem_i):
            pltpu.make_async_copy(feat_hbm.at[sidx_v.at[slot]], buf, sem_g).wait()

            @pl.when(i + 2 < _STEPS)
            def _():
                pltpu.async_copy(src_hbm.at[wid, i + 2], sidx_v.at[slot], sem_i)

            pltpu.sync_copy(buf, acc_sh.at[dsts_v.at[i]], add=True)
            if with_deg:
                count_deg(i)

            @pl.when(i + 2 < _STEPS)
            def _():
                pltpu.make_async_copy(src_hbm.at[wid, i + 2], sidx_v.at[slot],
                                      sem_i).wait()
                pltpu.async_copy(feat_hbm.at[sidx_v.at[slot]], buf, sem_g)

        def pair(k, carry):
            i0 = 2 * k
            half(i0, buf_a, sem_a, 0, sem_ia)
            half(i0 + 1, buf_b, sem_b, 1, sem_ib)
            return carry

        lax.fori_loop(0, _PAIRS, pair, 0)
        last = _STEPS - 1
        pltpu.make_async_copy(feat_hbm.at[sidx_v.at[0]], buf_a, sem_a).wait()
        pltpu.sync_copy(buf_a, acc_sh.at[dsts_v.at[last]], add=True)
        if with_deg:
            count_deg(last)
            pltpu.sync_copy(deg_v, acc_sh.at[degidx_v], add=True)

        plsc.subcore_barrier()

        pltpu.sync_copy(acc_sh.at[pl.ds(base_r, _ROWS_A)],
                        out_hbm.at[cid, pl.ds(base_r, _ROWS_A)])

        @pl.when(sid == _NS - 1)
        def _():
            t0 = pl.multiple_of(_NS * _ROWS_A, 8)
            pltpu.sync_copy(acc_sh.at[pl.ds(t0, tail)],
                            out_hbm.at[cid, pl.ds(t0, tail)])

    return seg_sum


_seg_sum_1 = _make_seg_sum(D_IN, True)
_seg_sum_2 = _make_seg_sum(H2, False)



_RB = 2000


def _layer1_body(msgp_ref, h_ref, deg_ref, w1_ref, b1_ref, w2_ref, y2_ref):
    msg = msgp_ref[0] + msgp_ref[1]
    agg = (msg + h_ref[...]) / (deg_ref[...] + 1.0)
    acc = jnp.dot(agg, w1_ref[...], preferred_element_type=jnp.float32)
    h1 = jnp.maximum(acc + b1_ref[...], 0.0)
    y2_ref[...] = jnp.dot(h1, w2_ref[...], preferred_element_type=jnp.float32)


def _layer1(msgp, x, deg, w1, b1, w2):
    return pl.pallas_call(
        _layer1_body,
        grid=(N // _RB,),
        in_specs=[
            pl.BlockSpec((_NC, _RB, D_IN), lambda i: (0, i, 0)),
            pl.BlockSpec((_RB, D_IN), lambda i: (i, 0)),
            pl.BlockSpec((_RB, 1), lambda i: (i, 0)),
            pl.BlockSpec((D_IN, D_IN), lambda i: (0, 0)),
            pl.BlockSpec((1, D_IN), lambda i: (0, 0)),
            pl.BlockSpec((D_IN, H2), lambda i: (0, 0)),
        ],
        out_specs=pl.BlockSpec((_RB, H2), lambda i: (i, 0)),
        out_shape=jax.ShapeDtypeStruct((N, H2), jnp.float32),
    )(msgp, x, deg, w1, b1.reshape(1, D_IN), w2)


def _cls_body(msgp_ref, y2_ref, deg_ref, b2_ref, wc_ref, bc_ref, o_ref):
    msg = msgp_ref[0] + msgp_ref[1]
    agg = (msg + y2_ref[...]) / (deg_ref[...] + 1.0)
    z = jnp.maximum(agg + b2_ref[...], 0.0)
    logits = jnp.dot(z, wc_ref[...], preferred_element_type=jnp.float32)
    logits = logits + bc_ref[...]
    m = jnp.max(logits, axis=-1, keepdims=True)
    e = jnp.exp(logits - m)
    o_ref[...] = e / jnp.sum(e, axis=-1, keepdims=True)


def _cls_layer(msgp, y2, deg, b2, wc, bc):
    return pl.pallas_call(
        _cls_body,
        grid=(N // _RB,),
        in_specs=[
            pl.BlockSpec((_NC, _RB, H2), lambda i: (0, i, 0)),
            pl.BlockSpec((_RB, H2), lambda i: (i, 0)),
            pl.BlockSpec((_RB, 1), lambda i: (i, 0)),
            pl.BlockSpec((1, H2), lambda i: (0, 0)),
            pl.BlockSpec((H2, NCLS), lambda i: (0, 0)),
            pl.BlockSpec((1, NCLS), lambda i: (0, 0)),
        ],
        out_specs=pl.BlockSpec((_RB, NCLS), lambda i: (i, 0)),
        out_shape=jax.ShapeDtypeStruct((N, NCLS), jnp.float32),
    )(msgp, y2, deg, b2.reshape(1, H2), wc, bc.reshape(1, NCLS))


_BM = 200


def _dec_body(a_ref, b_ref, o_ref):
    o_ref[...] = lax.dot_general(
        a_ref[...], b_ref[...],
        (((1,), (1,)), ((), ())),
        preferred_element_type=jnp.float32)


def _decoder(preds):
    return pl.pallas_call(
        _dec_body,
        grid=(N // _BM,),
        in_specs=[
            pl.BlockSpec((_BM, NCLS), lambda i: (i, 0)),
            pl.BlockSpec((N, NCLS), lambda i: (0, 0)),
        ],
        out_specs=pl.BlockSpec((_BM, N), lambda i: (i, 0)),
        out_shape=jax.ShapeDtypeStruct((N, N), jnp.float32),
    )(preds, preds)


def kernel(x, edge_index, W1, b1, W2, b2, Wc, bc):
    src = edge_index[0].astype(jnp.int32).reshape(_NW, _STEPS, _CH)
    dst = edge_index[1].astype(jnp.int32).reshape(_NW, _STEPS, _CH)
    zeros1 = jnp.zeros((_NROW, D_IN), jnp.float32)
    zeros2 = jnp.zeros((N, H2), jnp.float32)
    degidx = jnp.arange(N, N + _DGR, dtype=jnp.int32)

    msgp1 = _seg_sum_1(x, src, dst, zeros1, degidx)
    deg = (msgp1[0, N:] + msgp1[1, N:]).reshape(-1)[:N].reshape(N, 1)
    y2 = _layer1(msgp1, x, deg, W1, b1, W2)

    msgp2 = _seg_sum_2(y2, src, dst, zeros2, degidx)
    preds = _cls_layer(msgp2, y2, deg, b2, Wc, bc)

    adj_hat = _decoder(preds)
    return preds, adj_hat

# --- scband reference (transcript-rebuilt; emitter-appended) ---
"""Pipeline reference for scband-dgc-70712341561938 (READ-ONLY COPY).

The authoritative reference and input builder live on the scoring server;
editing this copy changes nothing except your own understanding.
"""

import jax, jax.numpy as jnp
import numpy as np

N_NODES = 10000
N_EDGES = 320000
D_FEAT = 128
HIDDEN = [128, 64]
N_CLUSTERS = 16


def setup_inputs(seed: int = 0) -> dict:
    key = jax.random.key(seed)
    ks = jax.random.split(key, 10)
    x = jax.random.normal(ks[0], (N_NODES, D_FEAT), dtype=jnp.float32)
    edge_index = jax.random.randint(ks[1], (2, N_EDGES), 0, N_NODES, dtype=jnp.int64)
    # encoder layer 1: in_feats=128 -> 128
    W1 = jax.random.normal(ks[2], (D_FEAT, HIDDEN[0]), dtype=jnp.float32) * (1.0 / np.sqrt(D_FEAT))
    b1 = jnp.zeros((HIDDEN[0],), dtype=jnp.float32)
    # encoder layer 2: 128 -> 64
    W2 = jax.random.normal(ks[3], (HIDDEN[0], HIDDEN[1]), dtype=jnp.float32) * (1.0 / np.sqrt(HIDDEN[0]))
    b2 = jnp.zeros((HIDDEN[1],), dtype=jnp.float32)
    # classifier: 64 -> n_clusters, softmax
    Wc = jax.random.normal(ks[4], (HIDDEN[1], N_CLUSTERS), dtype=jnp.float32) * (1.0 / np.sqrt(HIDDEN[1]))
    bc = jnp.zeros((N_CLUSTERS,), dtype=jnp.float32)
    return {"x": x, "edge_index": edge_index, "W1": W1, "b1": b1, "W2": W2, "b2": b2, "Wc": Wc, "bc": bc}


def reference(x, edge_index, W1, b1, W2, b2, Wc, bc):
    src = edge_index[0]
    dst = edge_index[1]
    n = x.shape[0]

    def gcn_layer(h, W, b):
        # DGL SAGEConv aggregator_type='gcn': (sum over in-neighbors + self) / (in_deg + 1)
        msg = jax.ops.segment_sum(h[src], dst, num_segments=n)
        deg = jax.ops.segment_sum(jnp.ones((src.shape[0],), dtype=h.dtype), dst, num_segments=n)
        agg = (msg + h) / (deg[:, None] + 1.0)
        return jax.nn.relu(agg @ W + b)

    h = gcn_layer(x, W1, b1)
    z = gcn_layer(h, W2, b2)
    # classifier MLP with softmax activation
    preds = jax.nn.softmax(z @ Wc + bc, axis=-1)
    # InnerProductDecoder: logits of reconstructed adjacency
    adj_hat = preds @ preds.T
    return preds, adj_hat

if __name__ == "__main__":
    import jax
    _d = setup_inputs()
    print(jax.jit(kernel)(*tuple(_d.values())))

</pallas_src>

<mosaic_0001>
#map = affine_map<(d0, d1) -> (0, 0)>
#map1 = affine_map<(d0, d1) -> (0, 0, 0)>
#map2 = affine_map<(d0, d1) -> (0)>
module attributes {stable_mosaic.version = 14 : i64} {
  func.func @seg_sum(%arg0: i32, %arg1: i32, %arg2: memref<10000x64xf32, #tpu.memory_space<hbm>>, %arg3: memref<32x125x80xi32, #tpu.memory_space<hbm>>, %arg4: memref<32x125x80xi32, #tpu.memory_space<hbm>>, %arg5: memref<10000x64xf32, #tpu.memory_space<hbm>>, %arg6: memref<80xi32, #tpu.memory_space<hbm>>, %arg7: memref<2x10000x64xf32, #tpu.memory_space<hbm>>, %arg8: memref<10000x64xf32, #tpu.memory_space<vmem_shared>>, %arg9: memref<125x80xi32, #tpu.memory_space<vmem>>, %arg10: memref<2x80xi32, #tpu.memory_space<vmem>>, %arg11: memref<80x64xf32, #tpu.memory_space<vmem>>, %arg12: memref<80x64xf32, #tpu.memory_space<vmem>>, %arg13: memref<!tpu.dma_semaphore, #tpu.memory_space<semaphore_mem>>, %arg14: memref<!tpu.dma_semaphore, #tpu.memory_space<semaphore_mem>>, %arg15: memref<!tpu.dma_semaphore, #tpu.memory_space<semaphore_mem>>, %arg16: memref<!tpu.dma_semaphore, #tpu.memory_space<semaphore_mem>>) attributes {dimension_semantics = [#tpu.dimension_semantics<core_parallel>, #tpu.dimension_semantics<subcore_parallel>], iteration_bounds = array<i64: 2, 16>, scalar_prefetch = 0 : i64, scratch_operands = 9 : i64, tpu.core_type = #tpu.core_type<sc_vector_subcore>, window_params = [{transform_indices = #map}, {transform_indices = #map1}, {transform_indices = #map1}, {transform_indices = #map}, {transform_indices = #map2}, {transform_indices = #map1}]} {
    %mul3A = arith.constant 2 : i32
    %mul3A_0 = arith.muli %arg1, %mul3A : i32
    %add3A = arith.addi %mul3A_0, %arg0 : i32
    %mul3A_1 = arith.constant 624 : i32
    %mul3A_2 = arith.muli %arg1, %mul3A_1 : i32
    %multiple_of3A = tpu.assume_multiple %mul3A_2, 8 : i32
    "tpu.region"() ({
      %run_scoped3A_39 = tpu.sem_alloc : memref<!tpu.dma_semaphore, #tpu.memory_space<semaphore_mem>>
      %dma_start3A_40 = arith.constant 0 : i32
      %dma_start3A_41 = tpu.memref_slice %arg8[%multiple_of3A, %dma_start3A_40] : memref<10000x64xf32, #tpu.memory_space<vmem_shared>> -> memref<624x64xf32, #tpu.memory_space<vmem_shared>>
      %dma_start3A_42 = arith.constant 0 : i32
      %dma_start3A_43 = tpu.memref_slice %arg5[%multiple_of3A, %dma_start3A_42] : memref<10000x64xf32, #tpu.memory_space<hbm>> -> memref<624x64xf32, #tpu.memory_space<hbm>>
      tpu.enqueue_dma source(%dma_start3A_43 : memref<624x64xf32, #tpu.memory_space<hbm>>) target(%dma_start3A_41 : memref<624x64xf32, #tpu.memory_space<vmem_shared>>) target_semaphore(%run_scoped3A_39 : memref<!tpu.dma_semaphore, #tpu.memory_space<semaphore_mem>>)
      %dma_wait3A_44 = arith.constant 0 : i32
      %dma_wait3A_45 = tpu.memref_slice %arg8[%multiple_of3A, %dma_wait3A_44] : memref<10000x64xf32, #tpu.memory_space<vmem_shared>> -> memref<624x64xf32, #tpu.memory_space<vmem_shared>>
      %dma_wait3A_46 = arith.constant 0 : i32
      %dma_wait3A_47 = tpu.memref_slice %arg5[%multiple_of3A, %dma_wait3A_46] : memref<10000x64xf32, #tpu.memory_space<hbm>> -> memref<624x64xf32, #tpu.memory_space<hbm>>
      tpu.wait_dma2 semaphore(%run_scoped3A_39 : memref<!tpu.dma_semaphore, #tpu.memory_space<semaphore_mem>>) src(%dma_wait3A_47 : memref<624x64xf32, #tpu.memory_space<hbm>>) dst(%dma_wait3A_45 : memref<624x64xf32, #tpu.memory_space<vmem_shared>>)
      tpu.yield
    }) : () -> ()
    %eq3A = arith.constant 15 : i32
    %eq3A_3 = arith.cmpi eq, %arg1, %eq3A : i32
    %convert_element_type3A = arith.extui %eq3A_3 : i1 to i32
    %cond3A = arith.constant 0 : i32
    %cond3A_4 = arith.cmpi ne, %convert_element_type3A, %cond3A : i32
    scf.if %cond3A_4 {
      %multiple_of3A_39 = arith.constant 9984 : i32
      %multiple_of3A_40 = tpu.assume_multiple %multiple_of3A_39, 8 : i32
      "tpu.region"() ({
        %run_scoped3A_41 = tpu.sem_alloc : memref<!tpu.dma_semaphore, #tpu.memory_space<semaphore_mem>>
        %dma_start3A_42 = arith.constant 0 : i32
        %dma_start3A_43 = tpu.memref_slice %arg8[%multiple_of3A_40, %dma_start3A_42] : memref<10000x64xf32, #tpu.memory_space<vmem_shared>> -> memref<16x64xf32, #tpu.memory_space<vmem_shared>>
        %dma_start3A_44 = arith.constant 0 : i32
        %dma_start3A_45 = tpu.memref_slice %arg5[%multiple_of3A_40, %dma_start3A_44] : memref<10000x64xf32, #tpu.memory_space<hbm>> -> memref<16x64xf32, #tpu.memory_space<hbm>>
        tpu.enqueue_dma source(%dma_start3A_45 : memref<16x64xf32, #tpu.memory_space<hbm>>) target(%dma_start3A_43 : memref<16x64xf32, #tpu.memory_space<vmem_shared>>) target_semaphore(%run_scoped3A_41 : memref<!tpu.dma_semaphore, #tpu.memory_space<semaphore_mem>>)
        %dma_wait3A_46 = arith.constant 0 : i32
        %dma_wait3A_47 = tpu.memref_slice %arg8[%multiple_of3A_40, %dma_wait3A_46] : memref<10000x64xf32, #tpu.memory_space<vmem_shared>> -> memref<16x64xf32, #tpu.memory_space<vmem_shared>>
        %dma_wait3A_48 = arith.constant 0 : i32
        %dma_wait3A_49 = tpu.memref_slice %arg5[%multiple_of3A_40, %dma_wait3A_48] : memref<10000x64xf32, #tpu.memory_space<hbm>> -> memref<16x64xf32, #tpu.memory_space<hbm>>
        tpu.wait_dma2 semaphore(%run_scoped3A_41 : memref<!tpu.dma_semaphore, #tpu.memory_space<semaphore_mem>>) src(%dma_wait3A_49 : memref<16x64xf32, #tpu.memory_space<hbm>>) dst(%dma_wait3A_47 : memref<16x64xf32, #tpu.memory_space<vmem_shared>>)
        tpu.yield
      }) : () -> ()
    } else {
    }
    "tpu.region"() ({
      %run_scoped3A_39 = tpu.sem_alloc : memref<!tpu.dma_semaphore, #tpu.memory_space<semaphore_mem>>
      %dma_start3A_40 = arith.constant 0 : i32
      %dma_start3A_41 = arith.constant 0 : i32
      %dma_start3A_42 = tpu.memref_slice %arg4[%add3A, %dma_start3A_40, %dma_start3A_41] : memref<32x125x80xi32, #tpu.memory_space<hbm>> -> memref<1x125x80xi32, #tpu.memory_space<hbm>>
      %dma_start3A_43 = tpu.memref_squeeze %dma_start3A_42 : memref<1x125x80xi32, #tpu.memory_space<hbm>> -> memref<125x80xi32, #tpu.memory_space<hbm>>
      %dma_start3A_44 = arith.constant 0 : i32
      %dma_start3A_45 = arith.constant 0 : i32
      %dma_start3A_46 = tpu.memref_slice %arg4[%add3A, %dma_start3A_44, %dma_start3A_45] : memref<32x125x80xi32, #tpu.memory_space<hbm>> -> memref<1x125x80xi32, #tpu.memory_space<hbm>>
      %dma_start3A_47 = tpu.memref_squeeze %dma_start3A_46 : memref<1x125x80xi32, #tpu.memory_space<hbm>> -> memref<125x80xi32, #tpu.memory_space<hbm>>
      tpu.enqueue_dma source(%dma_start3A_47 : memref<125x80xi32, #tpu.memory_space<hbm>>) target(%arg9 : memref<125x80xi32, #tpu.memory_space<vmem>>) target_semaphore(%run_scoped3A_39 : memref<!tpu.dma_semaphore, #tpu.memory_space<semaphore_mem>>)
      %dma_wait3A_48 = arith.constant 0 : i32
      %dma_wait3A_49 = arith.constant 0 : i32
      %dma_wait3A_50 = tpu.memref_slice %arg4[%add3A, %dma_wait3A_48, %dma_wait3A_49] : memref<32x125x80xi32, #tpu.memory_space<hbm>> -> memref<1x125x80xi32, #tpu.memory_space<hbm>>
      %dma_wait3A_51 = tpu.memref_squeeze %dma_wait3A_50 : memref<1x125x80xi32, #tpu.memory_space<hbm>> -> memref<125x80xi32, #tpu.memory_space<hbm>>
      %dma_wait3A_52 = arith.constant 0 : i32
      %dma_wait3A_53 = arith.constant 0 : i32
      %dma_wait3A_54 = tpu.memref_slice %arg4[%add3A, %dma_wait3A_52, %dma_wait3A_53] : memref<32x125x80xi32, #tpu.memory_space<hbm>> -> memref<1x125x80xi32, #tpu.memory_space<hbm>>
      %dma_wait3A_55 = tpu.memref_squeeze %dma_wait3A_54 : memref<1x125x80xi32, #tpu.memory_space<hbm>> -> memref<125x80xi32, #tpu.memory_space<hbm>>
      tpu.wait_dma2 semaphore(%run_scoped3A_39 : memref<!tpu.dma_semaphore, #tpu.memory_space<semaphore_mem>>) src(%dma_wait3A_55 : memref<125x80xi32, #tpu.memory_space<hbm>>) dst(%arg9 : memref<125x80xi32, #tpu.memory_space<vmem>>)
      tpu.yield
    }) : () -> ()
    %run_scoped3A = arith.constant 0 : i32
    %run_scoped3A_5 = arith.constant 0 : i32
    "tpu.region"() ({
      %run_scoped3A_39 = tpu.sem_alloc : memref<!tpu.dma_semaphore, #tpu.memory_space<semaphore_mem>>
      %dma_start3A_40 = arith.constant 0 : i32
      %dma_start3A_41 = tpu.memref_slice %arg10[%run_scoped3A_5, %dma_start3A_40] : memref<2x80xi32, #tpu.memory_space<vmem>> -> memref<1x80xi32, #tpu.memory_space<vmem>>
      %dma_start3A_42 = tpu.memref_squeeze %dma_start3A_41 : memref<1x80xi32, #tpu.memory_space<vmem>> -> memref<80xi32, #tpu.memory_space<vmem>>
      %dma_start3A_43 = arith.constant 0 : i32
      %dma_start3A_44 = tpu.memref_slice %arg3[%add3A, %run_scoped3A, %dma_start3A_43] : memref<32x125x80xi32, #tpu.memory_space<hbm>> -> memref<1x1x80xi32, #tpu.memory_space<hbm>>
      %dma_start3A_45 = tpu.memref_squeeze %dma_start3A_44 : memref<1x1x80xi32, #tpu.memory_space<hbm>> -> memref<80xi32, #tpu.memory_space<hbm>>
      %dma_start3A_46 = arith.constant 0 : i32
      %dma_start3A_47 = tpu.memref_slice %arg10[%run_scoped3A_5, %dma_start3A_46] : memref<2x80xi32, #tpu.memory_space<vmem>> -> memref<1x80xi32, #tpu.memory_space<vmem>>
      %dma_start3A_48 = tpu.memref_squeeze %dma_start3A_47 : memref<1x80xi32, #tpu.memory_space<vmem>> -> memref<80xi32, #tpu.memory_space<vmem>>
      %dma_start3A_49 = arith.constant 0 : i32
      %dma_start3A_50 = tpu.memref_slice %arg3[%add3A, %run_scoped3A, %dma_start3A_49] : memref<32x125x80xi32, #tpu.memory_space<hbm>> -> memref<1x1x80xi32, #tpu.memory_space<hbm>>
      %dma_start3A_51 = tpu.memref_squeeze %dma_start3A_50 : memref<1x1x80xi32, #tpu.memory_space<hbm>> -> memref<80xi32, #tpu.memory_space<hbm>>
      tpu.enqueue_dma source(%dma_start3A_51 : memref<80xi32, #tpu.memory_space<hbm>>) target(%dma_start3A_48 : memref<80xi32, #tpu.memory_space<vmem>>) target_semaphore(%run_scoped3A_39 : memref<!tpu.dma_semaphore, #tpu.memory_space<semaphore_mem>>)
      %dma_wait3A_52 = arith.constant 0 : i32
      %dma_wait3A_53 = tpu.memref_slice %arg10[%run_scoped3A_5, %dma_wait3A_52] : memref<2x80xi32, #tpu.memory_space<vmem>> -> memref<1x80xi32, #tpu.memory_space<vmem>>
      %dma_wait3A_54 = tpu.memref_squeeze %dma_wait3A_53 : memref<1x80xi32, #tpu.memory_space<vmem>> -> memref<80xi32, #tpu.memory_space<vmem>>
      %dma_wait3A_55 = arith.constant 0 : i32
      %dma_wait3A_56 = tpu.memref_slice %arg3[%add3A, %run_scoped3A, %dma_wait3A_55] : memref<32x125x80xi32, #tpu.memory_space<hbm>> -> memref<1x1x80xi32, #tpu.memory_space<hbm>>
      %dma_wait3A_57 = tpu.memref_squeeze %dma_wait3A_56 : memref<1x1x80xi32, #tpu.memory_space<hbm>> -> memref<80xi32, #tpu.memory_space<hbm>>
      %dma_wait3A_58 = arith.constant 0 : i32
      %dma_wait3A_59 = tpu.memref_slice %arg10[%run_scoped3A_5, %dma_wait3A_58] : memref<2x80xi32, #tpu.memory_space<vmem>> -> memref<1x80xi32, #tpu.memory_space<vmem>>
      %dma_wait3A_60 = tpu.memref_squeeze %dma_wait3A_59 : memref<1x80xi32, #tpu.memory_space<vmem>> -> memref<80xi32, #tpu.memory_space<vmem>>
      %dma_wait3A_61 = arith.constant 0 : i32
      %dma_wait3A_62 = tpu.memref_slice %arg3[%add3A, %run_scoped3A, %dma_wait3A_61] : memref<32x125x80xi32, #tpu.memory_space<hbm>> -> memref<1x1x80xi32, #tpu.memory_space<hbm>>
      %dma_wait3A_63 = tpu.memref_squeeze %dma_wait3A_62 : memref<1x1x80xi32, #tpu.memory_space<hbm>> -> memref<80xi32, #tpu.memory_space<hbm>>
      tpu.wait_dma2 semaphore(%run_scoped3A_39 : memref<!tpu.dma_semaphore, #tpu.memory_space<semaphore_mem>>) src(%dma_wait3A_63 : memref<80xi32, #tpu.memory_space<hbm>>) dst(%dma_wait3A_60 : memref<80xi32, #tpu.memory_space<vmem>>)
      tpu.yield
    }) : () -> ()
    %run_scoped3A_6 = arith.constant 1 : i32
    %run_scoped3A_7 = arith.constant 1 : i32
    "tpu.region"() ({
      %run_scoped3A_39 = tpu.sem_alloc : memref<!tpu.dma_semaphore, #tpu.memory_space<semaphore_mem>>
      %dma_start3A_40 = arith.constant 0 : i32
      %dma_start3A_41 = tpu.memref_slice %arg10[%run_scoped3A_7, %dma_start3A_40] : memref<2x80xi32, #tpu.memory_space<vmem>> -> memref<1x80xi32, #tpu.memory_space<vmem>>
      %dma_start3A_42 = tpu.memref_squeeze %dma_start3A_41 : memref<1x80xi32, #tpu.memory_space<vmem>> -> memref<80xi32, #tpu.memory_space<vmem>>
      %dma_start3A_43 = arith.constant 0 : i32
      %dma_start3A_44 = tpu.memref_slice %arg3[%add3A, %run_scoped3A_6, %dma_start3A_43] : memref<32x125x80xi32, #tpu.memory_space<hbm>> -> memref<1x1x80xi32, #tpu.memory_space<hbm>>
      %dma_start3A_45 = tpu.memref_squeeze %dma_start3A_44 : memref<1x1x80xi32, #tpu.memory_space<hbm>> -> memref<80xi32, #tpu.memory_space<hbm>>
      %dma_start3A_46 = arith.constant 0 : i32
      %dma_start3A_47 = tpu.memref_slice %arg10[%run_scoped3A_7, %dma_start3A_46] : memref<2x80xi32, #tpu.memory_space<vmem>> -> memref<1x80xi32, #tpu.memory_space<vmem>>
      %dma_start3A_48 = tpu.memref_squeeze %dma_start3A_47 : memref<1x80xi32, #tpu.memory_space<vmem>> -> memref<80xi32, #tpu.memory_space<vmem>>
      %dma_start3A_49 = arith.constant 0 : i32
      %dma_start3A_50 = tpu.memref_slice %arg3[%add3A, %run_scoped3A_6, %dma_start3A_49] : memref<32x125x80xi32, #tpu.memory_space<hbm>> -> memref<1x1x80xi32, #tpu.memory_space<hbm>>
      %dma_start3A_51 = tpu.memref_squeeze %dma_start3A_50 : memref<1x1x80xi32, #tpu.memory_space<hbm>> -> memref<80xi32, #tpu.memory_space<hbm>>
      tpu.enqueue_dma source(%dma_start3A_51 : memref<80xi32, #tpu.memory_space<hbm>>) target(%dma_start3A_48 : memref<80xi32, #tpu.memory_space<vmem>>) target_semaphore(%run_scoped3A_39 : memref<!tpu.dma_semaphore, #tpu.memory_space<semaphore_mem>>)
      %dma_wait3A_52 = arith.constant 0 : i32
      %dma_wait3A_53 = tpu.memref_slice %arg10[%run_scoped3A_7, %dma_wait3A_52] : memref<2x80xi32, #tpu.memory_space<vmem>> -> memref<1x80xi32, #tpu.memory_space<vmem>>
      %dma_wait3A_54 = tpu.memref_squeeze %dma_wait3A_53 : memref<1x80xi32, #tpu.memory_space<vmem>> -> memref<80xi32, #tpu.memory_space<vmem>>
      %dma_wait3A_55 = arith.constant 0 : i32
      %dma_wait3A_56 = tpu.memref_slice %arg3[%add3A, %run_scoped3A_6, %dma_wait3A_55] : memref<32x125x80xi32, #tpu.memory_space<hbm>> -> memref<1x1x80xi32, #tpu.memory_space<hbm>>
      %dma_wait3A_57 = tpu.memref_squeeze %dma_wait3A_56 : memref<1x1x80xi32, #tpu.memory_space<hbm>> -> memref<80xi32, #tpu.memory_space<hbm>>
      %dma_wait3A_58 = arith.constant 0 : i32
      %dma_wait3A_59 = tpu.memref_slice %arg10[%run_scoped3A_7, %dma_wait3A_58] : memref<2x80xi32, #tpu.memory_space<vmem>> -> memref<1x80xi32, #tpu.memory_space<vmem>>
      %dma_wait3A_60 = tpu.memref_squeeze %dma_wait3A_59 : memref<1x80xi32, #tpu.memory_space<vmem>> -> memref<80xi32, #tpu.memory_space<vmem>>
      %dma_wait3A_61 = arith.constant 0 : i32
      %dma_wait3A_62 = tpu.memref_slice %arg3[%add3A, %run_scoped3A_6, %dma_wait3A_61] : memref<32x125x80xi32, #tpu.memory_space<hbm>> -> memref<1x1x80xi32, #tpu.memory_space<hbm>>
      %dma_wait3A_63 = tpu.memref_squeeze %dma_wait3A_62 : memref<1x1x80xi32, #tpu.memory_space<hbm>> -> memref<80xi32, #tpu.memory_space<hbm>>
      tpu.wait_dma2 semaphore(%run_scoped3A_39 : memref<!tpu.dma_semaphore, #tpu.memory_space<semaphore_mem>>) src(%dma_wait3A_63 : memref<80xi32, #tpu.memory_space<hbm>>) dst(%dma_wait3A_60 : memref<80xi32, #tpu.memory_space<vmem>>)
      tpu.yield
    }) : () -> ()
    %barrier3A = arith.constant 0 : index
    tpu.barrier barrier_id(%barrier3A)
    %dma_start3A = arith.constant 0 : i32
    %dma_start3A_8 = arith.constant 0 : i32
    %dma_start3A_9 = tpu.memref_slice %arg10[%dma_start3A, %dma_start3A_8] : memref<2x80xi32, #tpu.memory_space<vmem>> -> memref<1x80xi32, #tpu.memory_space<vmem>>
    %dma_start3A_10 = tpu.memref_squeeze %dma_start3A_9 : memref<1x80xi32, #tpu.memory_space<vmem>> -> memref<80xi32, #tpu.memory_space<vmem>>
    %dma_start3A_11 = arith.constant 0 : i32
    %dma_start3A_12 = arith.constant 0 : i32
    %dma_start3A_13 = tpu.memref_slice %arg2[%dma_start3A_11, %dma_start3A_12] : memref<10000x64xf32, #tpu.memory_space<hbm>> -> memref<10000x64xf32, #tpu.memory_space<hbm>>
    tpu.enqueue_indirect_dma source(%dma_start3A_13 : memref<10000x64xf32, #tpu.memory_space<hbm>>) target(%arg11 : memref<80x64xf32, #tpu.memory_space<vmem>>) offsets(%dma_start3A_10 : memref<80xi32, #tpu.memory_space<vmem>>) semaphore(%arg13 : memref<!tpu.dma_semaphore, #tpu.memory_space<semaphore_mem>>)
    %dma_start3A_14 = arith.constant 1 : i32
    %dma_start3A_15 = arith.constant 0 : i32
    %dma_start3A_16 = tpu.memref_slice %arg10[%dma_start3A_14, %dma_start3A_15] : memref<2x80xi32, #tpu.memory_space<vmem>> -> memref<1x80xi32, #tpu.memory_space<vmem>>
    %dma_start3A_17 = tpu.memref_squeeze %dma_start3A_16 : memref<1x80xi32, #tpu.memory_space<vmem>> -> memref<80xi32, #tpu.memory_space<vmem>>
    %dma_start3A_18 = arith.constant 0 : i32
    %dma_start3A_19 = arith.constant 0 : i32
    %dma_start3A_20 = tpu.memref_slice %arg2[%dma_start3A_18, %dma_start3A_19] : memref<10000x64xf32, #tpu.memory_space<hbm>> -> memref<10000x64xf32, #tpu.memory_space<hbm>>
    tpu.enqueue_indirect_dma source(%dma_start3A_20 : memref<10000x64xf32, #tpu.memory_space<hbm>>) target(%arg12 : memref<80x64xf32, #tpu.memory_space<vmem>>) offsets(%dma_start3A_17 : memref<80xi32, #tpu.memory_space<vmem>>) semaphore(%arg14 : memref<!tpu.dma_semaphore, #tpu.memory_space<semaphore_mem>>)
    %scan3A = arith.constant 0 : i32
    %scan3A_21 = arith.constant 0 : i32
    %scan3A_22 = arith.constant 62 : i32
    %scan3A_23 = arith.addi %scan3A_21, %scan3A_22 : i32
    %scan3A_24 = arith.constant 1 : i32
    scf.for %scan3A_39 = %scan3A_21 to %scan3A_23 step %scan3A_24  : i32 {
      %mul3A_40 = arith.constant 2 : i32
      %mul3A_41 = arith.muli %mul3A_40, %scan3A_39 : i32
      %dma_wait3A_42 = arith.constant 0 : i32
      %dma_wait3A_43 = arith.constant 0 : i32
      %dma_wait3A_44 = tpu.memref_slice %arg10[%dma_wait3A_42, %dma_wait3A_43] : memref<2x80xi32, #tpu.memory_space<vmem>> -> memref<1x80xi32, #tpu.memory_space<vmem>>
      %dma_wait3A_45 = tpu.memref_squeeze %dma_wait3A_44 : memref<1x80xi32, #tpu.memory_space<vmem>> -> memref<80xi32, #tpu.memory_space<vmem>>
      %dma_wait3A_46 = arith.constant 0 : i32
      %dma_wait3A_47 = arith.constant 0 : i32
      %dma_wait3A_48 = tpu.memref_slice %arg2[%dma_wait3A_46, %dma_wait3A_47] : memref<10000x64xf32, #tpu.memory_space<hbm>> -> memref<10000x64xf32, #tpu.memory_space<hbm>>
      tpu.wait_indirect_dma semaphore(%arg13 : memref<!tpu.dma_semaphore, #tpu.memory_space<semaphore_mem>>) src(%dma_wait3A_48 : memref<10000x64xf32, #tpu.memory_space<hbm>>) dst(%arg11 : memref<80x64xf32, #tpu.memory_space<vmem>>)
      %add3A_49 = arith.constant 2 : i32
      %add3A_50 = arith.addi %mul3A_41, %add3A_49 : i32
      %lt3A = arith.constant 125 : i32
      %lt3A_51 = arith.cmpi slt, %add3A_50, %lt3A : i32
      %convert_element_type3A_52 = arith.extui %lt3A_51 : i1 to i32
      %cond3A_53 = arith.constant 0 : i32
      %cond3A_54 = arith.cmpi ne, %convert_element_type3A_52, %cond3A_53 : i32
      scf.if %cond3A_54 {
        %add3A_85 = arith.constant 2 : i32
        %add3A_86 = arith.addi %mul3A_41, %add3A_85 : i32
        %dma_start3A_87 = arith.constant 0 : i32
        %dma_start3A_88 = arith.constant 0 : i32
        %dma_start3A_89 = tpu.memref_slice %arg10[%dma_start3A_87, %dma_start3A_88] : memref<2x80xi32, #tpu.memory_space<vmem>> -> memref<1x80xi32, #tpu.memory_space<vmem>>
        %dma_start3A_90 = tpu.memref_squeeze %dma_start3A_89 : memref<1x80xi32, #tpu.memory_space<vmem>> -> memref<80xi32, #tpu.memory_space<vmem>>
        %dma_start3A_91 = arith.constant 0 : i32
        %dma_start3A_92 = tpu.memref_slice %arg3[%add3A, %add3A_86, %dma_start3A_91] : memref<32x125x80xi32, #tpu.memory_space<hbm>> -> memref<1x1x80xi32, #tpu.memory_space<hbm>>
        %dma_start3A_93 = tpu.memref_squeeze %dma_start3A_92 : memref<1x1x80xi32, #tpu.memory_space<hbm>> -> memref<80xi32, #tpu.memory_space<hbm>>
        %dma_start3A_94 = arith.constant 0 : i32
        %dma_start3A_95 = tpu.memref_slice %arg10[%dma_start3A_87, %dma_start3A_94] : memref<2x80xi32, #tpu.memory_space<vmem>> -> memref<1x80xi32, #tpu.memory_space<vmem>>
        %dma_start3A_96 = tpu.memref_squeeze %dma_start3A_95 : memref<1x80xi32, #tpu.memory_space<vmem>> -> memref<80xi32, #tpu.memory_space<vmem>>
        %dma_start3A_97 = arith.constant 0 : i32
        %dma_start3A_98 = tpu.memref_slice %arg3[%add3A, %add3A_86, %dma_start3A_97] : memref<32x125x80xi32, #tpu.memory_space<hbm>> -> memref<1x1x80xi32, #tpu.memory_space<hbm>>
        %dma_start3A_99 = tpu.memref_squeeze %dma_start3A_98 : memref<1x1x80xi32, #tpu.memory_space<hbm>> -> memref<80xi32, #tpu.memory_space<hbm>>
        tpu.enqueue_dma source(%dma_start3A_99 : memref<80xi32, #tpu.memory_space<hbm>>) target(%dma_start3A_96 : memref<80xi32, #tpu.memory_space<vmem>>) target_semaphore(%arg15 : memref<!tpu.dma_semaphore, #tpu.memory_space<semaphore_mem>>)
      } else {
      }
      "tpu.region"() ({
        %run_scoped3A_85 = tpu.sem_alloc : memref<!tpu.dma_semaphore, #tpu.memory_space<semaphore_mem>>
        %dma_start3A_86 = arith.constant 0 : i32
        %dma_start3A_87 = tpu.memref_slice %arg9[%mul3A_41, %dma_start3A_86] : memref<125x80xi32, #tpu.memory_space<vmem>> -> memref<1x80xi32, #tpu.memory_space<vmem>>
        %dma_start3A_88 = tpu.memref_squeeze %dma_start3A_87 : memref<1x80xi32, #tpu.memory_space<vmem>> -> memref<80xi32, #tpu.memory_space<vmem>>
        %dma_start3A_89 = arith.constant 0 : i32
        %dma_start3A_90 = arith.constant 0 : i32
        %dma_start3A_91 = tpu.memref_slice %arg8[%dma_start3A_89, %dma_start3A_90] : memref<10000x64xf32, #tpu.memory_space<vmem_shared>> -> memref<10000x64xf32, #tpu.memory_space<vmem_shared>>
        tpu.enqueue_indirect_dma source(%arg11 : memref<80x64xf32, #tpu.memory_space<vmem>>) target(%dma_start3A_91 : memref<10000x64xf32, #tpu.memory_space<vmem_shared>>) offsets(%dma_start3A_88 : memref<80xi32, #tpu.memory_space<vmem>>) semaphore(%run_scoped3A_85 : memref<!tpu.dma_semaphore, #tpu.memory_space<semaphore_mem>>) {add = true}
        %dma_wait3A_92 = arith.constant 0 : i32
        %dma_wait3A_93 = tpu.memref_slice %arg9[%mul3A_41, %dma_wait3A_92] : memref<125x80xi32, #tpu.memory_space<vmem>> -> memref<1x80xi32, #tpu.memory_space<vmem>>
        %dma_wait3A_94 = tpu.memref_squeeze %dma_wait3A_93 : memref<1x80xi32, #tpu.memory_space<vmem>> -> memref<80xi32, #tpu.memory_space<vmem>>
        %dma_wait3A_95 = arith.constant 0 : i32
        %dma_wait3A_96 = arith.constant 0 : i32
        %dma_wait3A_97 = tpu.memref_slice %arg8[%dma_wait3A_95, %dma_wait3A_96] : memref<10000x64xf32, #tpu.memory_space<vmem_shared>> -> memref<10000x64xf32, #tpu.memory_space<vmem_shared>>
        tpu.wait_indirect_dma semaphore(%run_scoped3A_85 : memref<!tpu.dma_semaphore, #tpu.memory_space<semaphore_mem>>) src(%arg11 : memref<80x64xf32, #tpu.memory_space<vmem>>) dst(%dma_wait3A_97 : memref<10000x64xf32, #tpu.memory_space<vmem_shared>>)
        tpu.yield
      }) : () -> ()
      %add3A_55 = arith.constant 2 : i32
      %add3A_56 = arith.addi %mul3A_41, %add3A_55 : i32
      %lt3A_57 = arith.constant 125 : i32
      %lt3A_58 = arith.cmpi slt, %add3A_56, %lt3A_57 : i32
      %convert_element_type3A_59 = arith.extui %lt3A_58 : i1 to i32
      %cond3A_60 = arith.constant 0 : i32
      %cond3A_61 = arith.cmpi ne, %convert_element_type3A_59, %cond3A_60 : i32
      scf.if %cond3A_61 {
        %add3A_85 = arith.constant 2 : i32
        %add3A_86 = arith.addi %mul3A_41, %add3A_85 : i32
        %dma_wait3A_87 = arith.constant 0 : i32
        %dma_wait3A_88 = arith.constant 0 : i32
        %dma_wait3A_89 = tpu.memref_slice %arg10[%dma_wait3A_87, %dma_wait3A_88] : memref<2x80xi32, #tpu.memory_space<vmem>> -> memref<1x80xi32, #tpu.memory_space<vmem>>
        %dma_wait3A_90 = tpu.memref_squeeze %dma_wait3A_89 : memref<1x80xi32, #tpu.memory_space<vmem>> -> memref<80xi32, #tpu.memory_space<vmem>>
        %dma_wait3A_91 = arith.constant 0 : i32
        %dma_wait3A_92 = tpu.memref_slice %arg3[%add3A, %add3A_86, %dma_wait3A_91] : memref<32x125x80xi32, #tpu.memory_space<hbm>> -> memref<1x1x80xi32, #tpu.memory_space<hbm>>
        %dma_wait3A_93 = tpu.memref_squeeze %dma_wait3A_92 : memref<1x1x80xi32, #tpu.memory_space<hbm>> -> memref<80xi32, #tpu.memory_space<hbm>>
        %dma_wait3A_94 = arith.constant 0 : i32
        %dma_wait3A_95 = tpu.memref_slice %arg10[%dma_wait3A_87, %dma_wait3A_94] : memref<2x80xi32, #tpu.memory_space<vmem>> -> memref<1x80xi32, #tpu.memory_space<vmem>>
        %dma_wait3A_96 = tpu.memref_squeeze %dma_wait3A_95 : memref<1x80xi32, #tpu.memory_space<vmem>> -> memref<80xi32, #tpu.memory_space<vmem>>
        %dma_wait3A_97 = arith.constant 0 : i32
        %dma_wait3A_98 = tpu.memref_slice %arg3[%add3A, %add3A_86, %dma_wait3A_97] : memref<32x125x80xi32, #tpu.memory_space<hbm>> -> memref<1x1x80xi32, #tpu.memory_space<hbm>>
        %dma_wait3A_99 = tpu.memref_squeeze %dma_wait3A_98 : memref<1x1x80xi32, #tpu.memory_space<hbm>> -> memref<80xi32, #tpu.memory_space<hbm>>
        tpu.wait_dma2 semaphore(%arg15 : memref<!tpu.dma_semaphore, #tpu.memory_space<semaphore_mem>>) src(%dma_wait3A_99 : memref<80xi32, #tpu.memory_space<hbm>>) dst(%dma_wait3A_96 : memref<80xi32, #tpu.memory_space<vmem>>)
        %dma_start3A_100 = arith.constant 0 : i32
        %dma_start3A_101 = arith.constant 0 : i32
        %dma_start3A_102 = tpu.memref_slice %arg10[%dma_start3A_100, %dma_start3A_101] : memref<2x80xi32, #tpu.memory_space<vmem>> -> memref<1x80xi32, #tpu.memory_space<vmem>>
        %dma_start3A_103 = tpu.memref_squeeze %dma_start3A_102 : memref<1x80xi32, #tpu.memory_space<vmem>> -> memref<80xi32, #tpu.memory_space<vmem>>
        %dma_start3A_104 = arith.constant 0 : i32
        %dma_start3A_105 = arith.constant 0 : i32
        %dma_start3A_106 = tpu.memref_slice %arg2[%dma_start3A_104, %dma_start3A_105] : memref<10000x64xf32, #tpu.memory_space<hbm>> -> memref<10000x64xf32, #tpu.memory_space<hbm>>
        tpu.enqueue_indirect_dma source(%dma_start3A_106 : memref<10000x64xf32, #tpu.memory_space<hbm>>) target(%arg11 : memref<80x64xf32, #tpu.memory_space<vmem>>) offsets(%dma_start3A_103 : memref<80xi32, #tpu.memory_space<vmem>>) semaphore(%arg13 : memref<!tpu.dma_semaphore, #tpu.memory_space<semaphore_mem>>)
      } else {
      }
      %add3A_62 = arith.constant 1 : i32
      %add3A_63 = arith.addi %mul3A_41, %add3A_62 : i32
      %dma_wait3A_64 = arith.constant 1 : i32
      %dma_wait3A_65 = arith.constant 0 : i32
      %dma_wait3A_66 = tpu.memref_slice %arg10[%dma_wait3A_64, %dma_wait3A_65] : memref<2x80xi32, #tpu.memory_space<vmem>> -> memref<1x80xi32, #tpu.memory_space<vmem>>
      %dma_wait3A_67 = tpu.memref_squeeze %dma_wait3A_66 : memref<1x80xi32, #tpu.memory_space<vmem>> -> memref<80xi32, #tpu.memory_space<vmem>>
      %dma_wait3A_68 = arith.constant 0 : i32
      %dma_wait3A_69 = arith.constant 0 : i32
      %dma_wait3A_70 = tpu.memref_slice %arg2[%dma_wait3A_68, %dma_wait3A_69] : memref<10000x64xf32, #tpu.memory_space<hbm>> -> memref<10000x64xf32, #tpu.memory_space<hbm>>
      tpu.wait_indirect_dma semaphore(%arg14 : memref<!tpu.dma_semaphore, #tpu.memory_space<semaphore_mem>>) src(%dma_wait3A_70 : memref<10000x64xf32, #tpu.memory_space<hbm>>) dst(%arg12 : memref<80x64xf32, #tpu.memory_space<vmem>>)
      %add3A_71 = arith.constant 2 : i32
      %add3A_72 = arith.addi %add3A_63, %add3A_71 : i32
      %lt3A_73 = arith.constant 125 : i32
      %lt3A_74 = arith.cmpi slt, %add3A_72, %lt3A_73 : i32
      %convert_element_type3A_75 = arith.extui %lt3A_74 : i1 to i32
      %cond3A_76 = arith.constant 0 : i32
      %cond3A_77 = arith.cmpi ne, %convert_element_type3A_75, %cond3A_76 : i32
      scf.if %cond3A_77 {
        %add3A_85 = arith.constant 2 : i32
        %add3A_86 = arith.addi %add3A_63, %add3A_85 : i32
        %dma_start3A_87 = arith.constant 1 : i32
        %dma_start3A_88 = arith.constant 0 : i32
        %dma_start3A_89 = tpu.memref_slice %arg10[%dma_start3A_87, %dma_start3A_88] : memref<2x80xi32, #tpu.memory_space<vmem>> -> memref<1x80xi32, #tpu.memory_space<vmem>>
        %dma_start3A_90 = tpu.memref_squeeze %dma_start3A_89 : memref<1x80xi32, #tpu.memory_space<vmem>> -> memref<80xi32, #tpu.memory_space<vmem>>
        %dma_start3A_91 = arith.constant 0 : i32
        %dma_start3A_92 = tpu.memref_slice %arg3[%add3A, %add3A_86, %dma_start3A_91] : memref<32x125x80xi32, #tpu.memory_space<hbm>> -> memref<1x1x80xi32, #tpu.memory_space<hbm>>
        %dma_start3A_93 = tpu.memref_squeeze %dma_start3A_92 : memref<1x1x80xi32, #tpu.memory_space<hbm>> -> memref<80xi32, #tpu.memory_space<hbm>>
        %dma_start3A_94 = arith.constant 0 : i32
        %dma_start3A_95 = tpu.memref_slice %arg10[%dma_start3A_87, %dma_start3A_94] : memref<2x80xi32, #tpu.memory_space<vmem>> -> memref<1x80xi32, #tpu.memory_space<vmem>>
        %dma_start3A_96 = tpu.memref_squeeze %dma_start3A_95 : memref<1x80xi32, #tpu.memory_space<vmem>> -> memref<80xi32, #tpu.memory_space<vmem>>
        %dma_start3A_97 = arith.constant 0 : i32
        %dma_start3A_98 = tpu.memref_slice %arg3[%add3A, %add3A_86, %dma_start3A_97] : memref<32x125x80xi32, #tpu.memory_space<hbm>> -> memref<1x1x80xi32, #tpu.memory_space<hbm>>
        %dma_start3A_99 = tpu.memref_squeeze %dma_start3A_98 : memref<1x1x80xi32, #tpu.memory_space<hbm>> -> memref<80xi32, #tpu.memory_space<hbm>>
        tpu.enqueue_dma source(%dma_start3A_99 : memref<80xi32, #tpu.memory_space<hbm>>) target(%dma_start3A_96 : memref<80xi32, #tpu.memory_space<vmem>>) target_semaphore(%arg16 : memref<!tpu.dma_semaphore, #tpu.memory_space<semaphore_mem>>)
      } else {
      }
      "tpu.region"() ({
        %run_scoped3A_85 = tpu.sem_alloc : memref<!tpu.dma_semaphore, #tpu.memory_space<semaphore_mem>>
        %dma_start3A_86 = arith.constant 0 : i32
        %dma_start3A_87 = tpu.memref_slice %arg9[%add3A_63, %dma_start3A_86] : memref<125x80xi32, #tpu.memory_space<vmem>> -> memref<1x80xi32, #tpu.memory_space<vmem>>
        %dma_start3A_88 = tpu.memref_squeeze %dma_start3A_87 : memref<1x80xi32, #tpu.memory_space<vmem>> -> memref<80xi32, #tpu.memory_space<vmem>>
        %dma_start3A_89 = arith.constant 0 : i32
        %dma_start3A_90 = arith.constant 0 : i32
        %dma_start3A_91 = tpu.memref_slice %arg8[%dma_start3A_89, %dma_start3A_90] : memref<10000x64xf32, #tpu.memory_space<vmem_shared>> -> memref<10000x64xf32, #tpu.memory_space<vmem_shared>>
        tpu.enqueue_indirect_dma source(%arg12 : memref<80x64xf32, #tpu.memory_space<vmem>>) target(%dma_start3A_91 : memref<10000x64xf32, #tpu.memory_space<vmem_shared>>) offsets(%dma_start3A_88 : memref<80xi32, #tpu.memory_space<vmem>>) semaphore(%run_scoped3A_85 : memref<!tpu.dma_semaphore, #tpu.memory_space<semaphore_mem>>) {add = true}
        %dma_wait3A_92 = arith.constant 0 : i32
        %dma_wait3A_93 = tpu.memref_slice %arg9[%add3A_63, %dma_wait3A_92] : memref<125x80xi32, #tpu.memory_space<vmem>> -> memref<1x80xi32, #tpu.memory_space<vmem>>
        %dma_wait3A_94 = tpu.memref_squeeze %dma_wait3A_93 : memref<1x80xi32, #tpu.memory_space<vmem>> -> memref<80xi32, #tpu.memory_space<vmem>>
        %dma_wait3A_95 = arith.constant 0 : i32
        %dma_wait3A_96 = arith.constant 0 : i32
        %dma_wait3A_97 = tpu.memref_slice %arg8[%dma_wait3A_95, %dma_wait3A_96] : memref<10000x64xf32, #tpu.memory_space<vmem_shared>> -> memref<10000x64xf32, #tpu.memory_space<vmem_shared>>
        tpu.wait_indirect_dma semaphore(%run_scoped3A_85 : memref<!tpu.dma_semaphore, #tpu.memory_space<semaphore_mem>>) src(%arg12 : memref<80x64xf32, #tpu.memory_space<vmem>>) dst(%dma_wait3A_97 : memref<10000x64xf32, #tpu.memory_space<vmem_shared>>)
        tpu.yield
      }) : () -> ()
      %add3A_78 = arith.constant 2 : i32
      %add3A_79 = arith.addi %add3A_63, %add3A_78 : i32
      %lt3A_80 = arith.constant 125 : i32
      %lt3A_81 = arith.cmpi slt, %add3A_79, %lt3A_80 : i32
      %convert_element_type3A_82 = arith.extui %lt3A_81 : i1 to i32
      %cond3A_83 = arith.constant 0 : i32
      %cond3A_84 = arith.cmpi ne, %convert_element_type3A_82, %cond3A_83 : i32
      scf.if %cond3A_84 {
        %add3A_85 = arith.constant 2 : i32
        %add3A_86 = arith.addi %add3A_63, %add3A_85 : i32
        %dma_wait3A_87 = arith.constant 1 : i32
        %dma_wait3A_88 = arith.constant 0 : i32
        %dma_wait3A_89 = tpu.memref_slice %arg10[%dma_wait3A_87, %dma_wait3A_88] : memref<2x80xi32, #tpu.memory_space<vmem>> -> memref<1x80xi32, #tpu.memory_space<vmem>>
        %dma_wait3A_90 = tpu.memref_squeeze %dma_wait3A_89 : memref<1x80xi32, #tpu.memory_space<vmem>> -> memref<80xi32, #tpu.memory_space<vmem>>
        %dma_wait3A_91 = arith.constant 0 : i32
        %dma_wait3A_92 = tpu.memref_slice %arg3[%add3A, %add3A_86, %dma_wait3A_91] : memref<32x125x80xi32, #tpu.memory_space<hbm>> -> memref<1x1x80xi32, #tpu.memory_space<hbm>>
        %dma_wait3A_93 = tpu.memref_squeeze %dma_wait3A_92 : memref<1x1x80xi32, #tpu.memory_space<hbm>> -> memref<80xi32, #tpu.memory_space<hbm>>
        %dma_wait3A_94 = arith.constant 0 : i32
        %dma_wait3A_95 = tpu.memref_slice %arg10[%dma_wait3A_87, %dma_wait3A_94] : memref<2x80xi32, #tpu.memory_space<vmem>> -> memref<1x80xi32, #tpu.memory_space<vmem>>
        %dma_wait3A_96 = tpu.memref_squeeze %dma_wait3A_95 : memref<1x80xi32, #tpu.memory_space<vmem>> -> memref<80xi32, #tpu.memory_space<vmem>>
        %dma_wait3A_97 = arith.constant 0 : i32
        %dma_wait3A_98 = tpu.memref_slice %arg3[%add3A, %add3A_86, %dma_wait3A_97] : memref<32x125x80xi32, #tpu.memory_space<hbm>> -> memref<1x1x80xi32, #tpu.memory_space<hbm>>
        %dma_wait3A_99 = tpu.memref_squeeze %dma_wait3A_98 : memref<1x1x80xi32, #tpu.memory_space<hbm>> -> memref<80xi32, #tpu.memory_space<hbm>>
        tpu.wait_dma2 semaphore(%arg16 : memref<!tpu.dma_semaphore, #tpu.memory_space<semaphore_mem>>) src(%dma_wait3A_99 : memref<80xi32, #tpu.memory_space<hbm>>) dst(%dma_wait3A_96 : memref<80xi32, #tpu.memory_space<vmem>>)
        %dma_start3A_100 = arith.constant 1 : i32
        %dma_start3A_101 = arith.constant 0 : i32
        %dma_start3A_102 = tpu.memref_slice %arg10[%dma_start3A_100, %dma_start3A_101] : memref<2x80xi32, #tpu.memory_space<vmem>> -> memref<1x80xi32, #tpu.memory_space<vmem>>
        %dma_start3A_103 = tpu.memref_squeeze %dma_start3A_102 : memref<1x80xi32, #tpu.memory_space<vmem>> -> memref<80xi32, #tpu.memory_space<vmem>>
        %dma_start3A_104 = arith.constant 0 : i32
        %dma_start3A_105 = arith.constant 0 : i32
        %dma_start3A_106 = tpu.memref_slice %arg2[%dma_start3A_104, %dma_start3A_105] : memref<10000x64xf32, #tpu.memory_space<hbm>> -> memref<10000x64xf32, #tpu.memory_space<hbm>>
        tpu.enqueue_indirect_dma source(%dma_start3A_106 : memref<10000x64xf32, #tpu.memory_space<hbm>>) target(%arg12 : memref<80x64xf32, #tpu.memory_space<vmem>>) offsets(%dma_start3A_103 : memref<80xi32, #tpu.memory_space<vmem>>) semaphore(%arg14 : memref<!tpu.dma_semaphore, #tpu.memory_space<semaphore_mem>>)
      } else {
      }
    }
    %scan3A_25 = arith.constant 62 : i32
    %dma_wait3A = arith.constant 0 : i32
    %dma_wait3A_26 = arith.constant 0 : i32
    %dma_wait3A_27 = tpu.memref_slice %arg10[%dma_wait3A, %dma_wait3A_26] : memref<2x80xi32, #tpu.memory_space<vmem>> -> memref<1x80xi32, #tpu.memory_space<vmem>>
    %dma_wait3A_28 = tpu.memref_squeeze %dma_wait3A_27 : memref<1x80xi32, #tpu.memory_space<vmem>> -> memref<80xi32, #tpu.memory_space<vmem>>
    %dma_wait3A_29 = arith.constant 0 : i32
    %dma_wait3A_30 = arith.constant 0 : i32
    %dma_wait3A_31 = tpu.memref_slice %arg2[%dma_wait3A_29, %dma_wait3A_30] : memref<10000x64xf32, #tpu.memory_space<hbm>> -> memref<10000x64xf32, #tpu.memory_space<hbm>>
    tpu.wait_indirect_dma semaphore(%arg13 : memref<!tpu.dma_semaphore, #tpu.memory_space<semaphore_mem>>) src(%dma_wait3A_31 : memref<10000x64xf32, #tpu.memory_space<hbm>>) dst(%arg11 : memref<80x64xf32, #tpu.memory_space<vmem>>)
    %run_scoped3A_32 = arith.constant 124 : i32
    "tpu.region"() ({
      %run_scoped3A_39 = tpu.sem_alloc : memref<!tpu.dma_semaphore, #tpu.memory_space<semaphore_mem>>
      %dma_start3A_40 = arith.constant 0 : i32
      %dma_start3A_41 = tpu.memref_slice %arg9[%run_scoped3A_32, %dma_start3A_40] : memref<125x80xi32, #tpu.memory_space<vmem>> -> memref<1x80xi32, #tpu.memory_space<vmem>>
      %dma_start3A_42 = tpu.memref_squeeze %dma_start3A_41 : memref<1x80xi32, #tpu.memory_space<vmem>> -> memref<80xi32, #tpu.memory_space<vmem>>
      %dma_start3A_43 = arith.constant 0 : i32
      %dma_start3A_44 = arith.constant 0 : i32
      %dma_start3A_45 = tpu.memref_slice %arg8[%dma_start3A_43, %dma_start3A_44] : memref<10000x64xf32, #tpu.memory_space<vmem_shared>> -> memref<10000x64xf32, #tpu.memory_space<vmem_shared>>
      tpu.enqueue_indirect_dma source(%arg11 : memref<80x64xf32, #tpu.memory_space<vmem>>) target(%dma_start3A_45 : memref<10000x64xf32, #tpu.memory_space<vmem_shared>>) offsets(%dma_start3A_42 : memref<80xi32, #tpu.memory_space<vmem>>) semaphore(%run_scoped3A_39 : memref<!tpu.dma_semaphore, #tpu.memory_space<semaphore_mem>>) {add = true}
      %dma_wait3A_46 = arith.constant 0 : i32
      %dma_wait3A_47 = tpu.memref_slice %arg9[%run_scoped3A_32, %dma_wait3A_46] : memref<125x80xi32, #tpu.memory_space<vmem>> -> memref<1x80xi32, #tpu.memory_space<vmem>>
      %dma_wait3A_48 = tpu.memref_squeeze %dma_wait3A_47 : memref<1x80xi32, #tpu.memory_space<vmem>> -> memref<80xi32, #tpu.memory_space<vmem>>
      %dma_wait3A_49 = arith.constant 0 : i32
      %dma_wait3A_50 = arith.constant 0 : i32
      %dma_wait3A_51 = tpu.memref_slice %arg8[%dma_wait3A_49, %dma_wait3A_50] : memref<10000x64xf32, #tpu.memory_space<vmem_shared>> -> memref<10000x64xf32, #tpu.memory_space<vmem_shared>>
      tpu.wait_indirect_dma semaphore(%run_scoped3A_39 : memref<!tpu.dma_semaphore, #tpu.memory_space<semaphore_mem>>) src(%arg11 : memref<80x64xf32, #tpu.memory_space<vmem>>) dst(%dma_wait3A_51 : memref<10000x64xf32, #tpu.memory_space<vmem_shared>>)
      tpu.yield
    }) : () -> ()
    %barrier3A_33 = arith.constant 0 : index
    tpu.barrier barrier_id(%barrier3A_33)
    "tpu.region"() ({
      %run_scoped3A_39 = tpu.sem_alloc : memref<!tpu.dma_semaphore, #tpu.memory_space<semaphore_mem>>
      %dma_start3A_40 = arith.constant 0 : i32
      %dma_start3A_41 = tpu.memref_slice %arg7[%arg0, %multiple_of3A, %dma_start3A_40] : memref<2x10000x64xf32, #tpu.memory_space<hbm>> -> memref<1x624x64xf32, #tpu.memory_space<hbm>>
      %dma_start3A_42 = tpu.memref_squeeze %dma_start3A_41 : memref<1x624x64xf32, #tpu.memory_space<hbm>> -> memref<624x64xf32, #tpu.memory_space<hbm>>
      %dma_start3A_43 = arith.constant 0 : i32
      %dma_start3A_44 = tpu.memref_slice %arg8[%multiple_of3A, %dma_start3A_43] : memref<10000x64xf32, #tpu.memory_space<vmem_shared>> -> memref<624x64xf32, #tpu.memory_space<vmem_shared>>
      tpu.enqueue_dma source(%dma_start3A_44 : memref<624x64xf32, #tpu.memory_space<vmem_shared>>) target(%dma_start3A_42 : memref<624x64xf32, #tpu.memory_space<hbm>>) target_semaphore(%run_scoped3A_39 : memref<!tpu.dma_semaphore, #tpu.memory_space<semaphore_mem>>)
      %dma_wait3A_45 = arith.constant 0 : i32
      %dma_wait3A_46 = tpu.memref_slice %arg7[%arg0, %multiple_of3A, %dma_wait3A_45] : memref<2x10000x64xf32, #tpu.memory_space<hbm>> -> memref<1x624x64xf32, #tpu.memory_space<hbm>>
      %dma_wait3A_47 = tpu.memref_squeeze %dma_wait3A_46 : memref<1x624x64xf32, #tpu.memory_space<hbm>> -> memref<624x64xf32, #tpu.memory_space<hbm>>
      %dma_wait3A_48 = arith.constant 0 : i32
      %dma_wait3A_49 = tpu.memref_slice %arg8[%multiple_of3A, %dma_wait3A_48] : memref<10000x64xf32, #tpu.memory_space<vmem_shared>> -> memref<624x64xf32, #tpu.memory_space<vmem_shared>>
      tpu.wait_dma2 semaphore(%run_scoped3A_39 : memref<!tpu.dma_semaphore, #tpu.memory_space<semaphore_mem>>) src(%dma_wait3A_49 : memref<624x64xf32, #tpu.memory_space<vmem_shared>>) dst(%dma_wait3A_47 : memref<624x64xf32, #tpu.memory_space<hbm>>)
      tpu.yield
    }) : () -> ()
    %eq3A_34 = arith.constant 15 : i32
    %eq3A_35 = arith.cmpi eq, %arg1, %eq3A_34 : i32
    %convert_element_type3A_36 = arith.extui %eq3A_35 : i1 to i32
    %cond3A_37 = arith.constant 0 : i32
    %cond3A_38 = arith.cmpi ne, %convert_element_type3A_36, %cond3A_37 : i32
    scf.if %cond3A_38 {
      %multiple_of3A_39 = arith.constant 9984 : i32
      %multiple_of3A_40 = tpu.assume_multiple %multiple_of3A_39, 8 : i32
      "tpu.region"() ({
        %run_scoped3A_41 = tpu.sem_alloc : memref<!tpu.dma_semaphore, #tpu.memory_space<semaphore_mem>>
        %dma_start3A_42 = arith.constant 0 : i32
        %dma_start3A_43 = tpu.memref_slice %arg7[%arg0, %multiple_of3A_40, %dma_start3A_42] : memref<2x10000x64xf32, #tpu.memory_space<hbm>> -> memref<1x16x64xf32, #tpu.memory_space<hbm>>
        %dma_start3A_44 = tpu.memref_squeeze %dma_start3A_43 : memref<1x16x64xf32, #tpu.memory_space<hbm>> -> memref<16x64xf32, #tpu.memory_space<hbm>>
        %dma_start3A_45 = arith.constant 0 : i32
        %dma_start3A_46 = tpu.memref_slice %arg8[%multiple_of3A_40, %dma_start3A_45] : memref<10000x64xf32, #tpu.memory_space<vmem_shared>> -> memref<16x64xf32, #tpu.memory_space<vmem_shared>>
        tpu.enqueue_dma source(%dma_start3A_46 : memref<16x64xf32, #tpu.memory_space<vmem_shared>>) target(%dma_start3A_44 : memref<16x64xf32, #tpu.memory_space<hbm>>) target_semaphore(%run_scoped3A_41 : memref<!tpu.dma_semaphore, #tpu.memory_space<semaphore_mem>>)
        %dma_wait3A_47 = arith.constant 0 : i32
        %dma_wait3A_48 = tpu.memref_slice %arg7[%arg0, %multiple_of3A_40, %dma_wait3A_47] : memref<2x10000x64xf32, #tpu.memory_space<hbm>> -> memref<1x16x64xf32, #tpu.memory_space<hbm>>
        %dma_wait3A_49 = tpu.memref_squeeze %dma_wait3A_48 : memref<1x16x64xf32, #tpu.memory_space<hbm>> -> memref<16x64xf32, #tpu.memory_space<hbm>>
        %dma_wait3A_50 = arith.constant 0 : i32
        %dma_wait3A_51 = tpu.memref_slice %arg8[%multiple_of3A_40, %dma_wait3A_50] : memref<10000x64xf32, #tpu.memory_space<vmem_shared>> -> memref<16x64xf32, #tpu.memory_space<vmem_shared>>
        tpu.wait_dma2 semaphore(%run_scoped3A_41 : memref<!tpu.dma_semaphore, #tpu.memory_space<semaphore_mem>>) src(%dma_wait3A_51 : memref<16x64xf32, #tpu.memory_space<vmem_shared>>) dst(%dma_wait3A_49 : memref<16x64xf32, #tpu.memory_space<hbm>>)
        tpu.yield
      }) : () -> ()
    } else {
    }
    return
  }
}

#map = affine_map<(d0, d1) -> (0, 0)>
#map1 = affine_map<(d0, d1) -> (0, 0, 0)>
#map2 = affine_map<(d0, d1) -> (0)>
module attributes {stable_mosaic.version = 14 : i64} {
  func.func @seg_sum(%arg0: i32, %arg1: i32, %arg2: memref<10000x128xf32, #tpu.memory_space<hbm>>, %arg3: memref<32x125x80xi32, #tpu.memory_space<hbm>>, %arg4: memref<32x125x80xi32, #tpu.memory_space<hbm>>, %arg5: memref<10080x128xf32, #tpu.memory_space<hbm>>, %arg6: memref<80xi32, #tpu.memory_space<hbm>>, %arg7: memref<2x10080x128xf32, #tpu.memory_space<hbm>>, %arg8: memref<10080x128xf32, #tpu.memory_space<vmem_shared>>, %arg9: memref<125x80xi32, #tpu.memory_space<vmem>>, %arg10: memref<2x80xi32, #tpu.memory_space<vmem>>, %arg11: memref<80x128xf32, #tpu.memory_space<vmem>>, %arg12: memref<80x128xf32, #tpu.memory_space<vmem>>, %arg13: memref<!tpu.dma_semaphore, #tpu.memory_space<semaphore_mem>>, %arg14: memref<!tpu.dma_semaphore, #tpu.memory_space<semaphore_mem>>, %arg15: memref<!tpu.dma_semaphore, #tpu.memory_space<semaphore_mem>>, %arg16: memref<!tpu.dma_semaphore, #tpu.memory_space<semaphore_mem>>, %arg17: memref<80x128xf32, #tpu.memory_space<vmem>>, %arg18: memref<80xi32, #tpu.memory_space<vmem>>) attributes {dimension_semantics = [#tpu.dimension_semantics<core_parallel>, #tpu.dimension_semantics<subcore_parallel>], iteration_bounds = array<i64: 2, 16>, scalar_prefetch = 0 : i64, scratch_operands = 11 : i64, tpu.core_type = #tpu.core_type<sc_vector_subcore>, window_params = [{transform_indices = #map}, {transform_indices = #map1}, {transform_indices = #map1}, {transform_indices = #map}, {transform_indices = #map2}, {transform_indices = #map1}]} {
    %mul3A = arith.constant 2 : i32
    %mul3A_0 = arith.muli %arg1, %mul3A : i32
    %add3A = arith.addi %mul3A_0, %arg0 : i32
    %mul3A_1 = arith.constant 624 : i32
    %mul3A_2 = arith.muli %arg1, %mul3A_1 : i32
    %multiple_of3A = tpu.assume_multiple %mul3A_2, 8 : i32
    "tpu.region"() ({
      %run_scoped3A_87 = tpu.sem_alloc : memref<!tpu.dma_semaphore, #tpu.memory_space<semaphore_mem>>
      %dma_start3A_88 = arith.constant 0 : i32
      %dma_start3A_89 = tpu.memref_slice %arg8[%multiple_of3A, %dma_start3A_88] : memref<10080x128xf32, #tpu.memory_space<vmem_shared>> -> memref<624x128xf32, #tpu.memory_space<vmem_shared>>
      %dma_start3A_90 = arith.constant 0 : i32
      %dma_start3A_91 = tpu.memref_slice %arg5[%multiple_of3A, %dma_start3A_90] : memref<10080x128xf32, #tpu.memory_space<hbm>> -> memref<624x128xf32, #tpu.memory_space<hbm>>
      tpu.enqueue_dma source(%dma_start3A_91 : memref<624x128xf32, #tpu.memory_space<hbm>>) target(%dma_start3A_89 : memref<624x128xf32, #tpu.memory_space<vmem_shared>>) target_semaphore(%run_scoped3A_87 : memref<!tpu.dma_semaphore, #tpu.memory_space<semaphore_mem>>)
      %dma_wait3A_92 = arith.constant 0 : i32
      %dma_wait3A_93 = tpu.memref_slice %arg8[%multiple_of3A, %dma_wait3A_92] : memref<10080x128xf32, #tpu.memory_space<vmem_shared>> -> memref<624x128xf32, #tpu.memory_space<vmem_shared>>
      %dma_wait3A_94 = arith.constant 0 : i32
      %dma_wait3A_95 = tpu.memref_slice %arg5[%multiple_of3A, %dma_wait3A_94] : memref<10080x128xf32, #tpu.memory_space<hbm>> -> memref<624x128xf32, #tpu.memory_space<hbm>>
      tpu.wait_dma2 semaphore(%run_scoped3A_87 : memref<!tpu.dma_semaphore, #tpu.memory_space<semaphore_mem>>) src(%dma_wait3A_95 : memref<624x128xf32, #tpu.memory_space<hbm>>) dst(%dma_wait3A_93 : memref<624x128xf32, #tpu.memory_space<vmem_shared>>)
      tpu.yield
    }) : () -> ()
    %eq3A = arith.constant 15 : i32
    %eq3A_3 = arith.cmpi eq, %arg1, %eq3A : i32
    %convert_element_type3A = arith.extui %eq3A_3 : i1 to i32
    %cond3A = arith.constant 0 : i32
    %cond3A_4 = arith.cmpi ne, %convert_element_type3A, %cond3A : i32
    scf.if %cond3A_4 {
      %multiple_of3A_87 = arith.constant 9984 : i32
      %multiple_of3A_88 = tpu.assume_multiple %multiple_of3A_87, 8 : i32
      "tpu.region"() ({
        %run_scoped3A_89 = tpu.sem_alloc : memref<!tpu.dma_semaphore, #tpu.memory_space<semaphore_mem>>
        %dma_start3A_90 = arith.constant 0 : i32
        %dma_start3A_91 = tpu.memref_slice %arg8[%multiple_of3A_88, %dma_start3A_90] : memref<10080x128xf32, #tpu.memory_space<vmem_shared>> -> memref<96x128xf32, #tpu.memory_space<vmem_shared>>
        %dma_start3A_92 = arith.constant 0 : i32
        %dma_start3A_93 = tpu.memref_slice %arg5[%multiple_of3A_88, %dma_start3A_92] : memref<10080x128xf32, #tpu.memory_space<hbm>> -> memref<96x128xf32, #tpu.memory_space<hbm>>
        tpu.enqueue_dma source(%dma_start3A_93 : memref<96x128xf32, #tpu.memory_space<hbm>>) target(%dma_start3A_91 : memref<96x128xf32, #tpu.memory_space<vmem_shared>>) target_semaphore(%run_scoped3A_89 : memref<!tpu.dma_semaphore, #tpu.memory_space<semaphore_mem>>)
        %dma_wait3A_94 = arith.constant 0 : i32
        %dma_wait3A_95 = tpu.memref_slice %arg8[%multiple_of3A_88, %dma_wait3A_94] : memref<10080x128xf32, #tpu.memory_space<vmem_shared>> -> memref<96x128xf32, #tpu.memory_space<vmem_shared>>
        %dma_wait3A_96 = arith.constant 0 : i32
        %dma_wait3A_97 = tpu.memref_slice %arg5[%multiple_of3A_88, %dma_wait3A_96] : memref<10080x128xf32, #tpu.memory_space<hbm>> -> memref<96x128xf32, #tpu.memory_space<hbm>>
        tpu.wait_dma2 semaphore(%run_scoped3A_89 : memref<!tpu.dma_semaphore, #tpu.memory_space<semaphore_mem>>) src(%dma_wait3A_97 : memref<96x128xf32, #tpu.memory_space<hbm>>) dst(%dma_wait3A_95 : memref<96x128xf32, #tpu.memory_space<vmem_shared>>)
        tpu.yield
      }) : () -> ()
    } else {
    }
    "tpu.region"() ({
      %run_scoped3A_87 = tpu.sem_alloc : memref<!tpu.dma_semaphore, #tpu.memory_space<semaphore_mem>>
      %dma_start3A_88 = arith.constant 0 : i32
      %dma_start3A_89 = arith.constant 0 : i32
      %dma_start3A_90 = tpu.memref_slice %arg4[%add3A, %dma_start3A_88, %dma_start3A_89] : memref<32x125x80xi32, #tpu.memory_space<hbm>> -> memref<1x125x80xi32, #tpu.memory_space<hbm>>
      %dma_start3A_91 = tpu.memref_squeeze %dma_start3A_90 : memref<1x125x80xi32, #tpu.memory_space<hbm>> -> memref<125x80xi32, #tpu.memory_space<hbm>>
      %dma_start3A_92 = arith.constant 0 : i32
      %dma_start3A_93 = arith.constant 0 : i32
      %dma_start3A_94 = tpu.memref_slice %arg4[%add3A, %dma_start3A_92, %dma_start3A_93] : memref<32x125x80xi32, #tpu.memory_space<hbm>> -> memref<1x125x80xi32, #tpu.memory_space<hbm>>
      %dma_start3A_95 = tpu.memref_squeeze %dma_start3A_94 : memref<1x125x80xi32, #tpu.memory_space<hbm>> -> memref<125x80xi32, #tpu.memory_space<hbm>>
      tpu.enqueue_dma source(%dma_start3A_95 : memref<125x80xi32, #tpu.memory_space<hbm>>) target(%arg9 : memref<125x80xi32, #tpu.memory_space<vmem>>) target_semaphore(%run_scoped3A_87 : memref<!tpu.dma_semaphore, #tpu.memory_space<semaphore_mem>>)
      %dma_wait3A_96 = arith.constant 0 : i32
      %dma_wait3A_97 = arith.constant 0 : i32
      %dma_wait3A_98 = tpu.memref_slice %arg4[%add3A, %dma_wait3A_96, %dma_wait3A_97] : memref<32x125x80xi32, #tpu.memory_space<hbm>> -> memref<1x125x80xi32, #tpu.memory_space<hbm>>
      %dma_wait3A_99 = tpu.memref_squeeze %dma_wait3A_98 : memref<1x125x80xi32, #tpu.memory_space<hbm>> -> memref<125x80xi32, #tpu.memory_space<hbm>>
      %dma_wait3A_100 = arith.constant 0 : i32
      %dma_wait3A_101 = arith.constant 0 : i32
      %dma_wait3A_102 = tpu.memref_slice %arg4[%add3A, %dma_wait3A_100, %dma_wait3A_101] : memref<32x125x80xi32, #tpu.memory_space<hbm>> -> memref<1x125x80xi32, #tpu.memory_space<hbm>>
      %dma_wait3A_103 = tpu.memref_squeeze %dma_wait3A_102 : memref<1x125x80xi32, #tpu.memory_space<hbm>> -> memref<125x80xi32, #tpu.memory_space<hbm>>
      tpu.wait_dma2 semaphore(%run_scoped3A_87 : memref<!tpu.dma_semaphore, #tpu.memory_space<semaphore_mem>>) src(%dma_wait3A_103 : memref<125x80xi32, #tpu.memory_space<hbm>>) dst(%arg9 : memref<125x80xi32, #tpu.memory_space<vmem>>)
      tpu.yield
    }) : () -> ()
    %run_scoped3A = arith.constant 0 : i32
    %run_scoped3A_5 = arith.constant 0 : i32
    "tpu.region"() ({
      %run_scoped3A_87 = tpu.sem_alloc : memref<!tpu.dma_semaphore, #tpu.memory_space<semaphore_mem>>
      %dma_start3A_88 = arith.constant 0 : i32
      %dma_start3A_89 = tpu.memref_slice %arg10[%run_scoped3A_5, %dma_start3A_88] : memref<2x80xi32, #tpu.memory_space<vmem>> -> memref<1x80xi32, #tpu.memory_space<vmem>>
      %dma_start3A_90 = tpu.memref_squeeze %dma_start3A_89 : memref<1x80xi32, #tpu.memory_space<vmem>> -> memref<80xi32, #tpu.memory_space<vmem>>
      %dma_start3A_91 = arith.constant 0 : i32
      %dma_start3A_92 = tpu.memref_slice %arg3[%add3A, %run_scoped3A, %dma_start3A_91] : memref<32x125x80xi32, #tpu.memory_space<hbm>> -> memref<1x1x80xi32, #tpu.memory_space<hbm>>
      %dma_start3A_93 = tpu.memref_squeeze %dma_start3A_92 : memref<1x1x80xi32, #tpu.memory_space<hbm>> -> memref<80xi32, #tpu.memory_space<hbm>>
      %dma_start3A_94 = arith.constant 0 : i32
      %dma_start3A_95 = tpu.memref_slice %arg10[%run_scoped3A_5, %dma_start3A_94] : memref<2x80xi32, #tpu.memory_space<vmem>> -> memref<1x80xi32, #tpu.memory_space<vmem>>
      %dma_start3A_96 = tpu.memref_squeeze %dma_start3A_95 : memref<1x80xi32, #tpu.memory_space<vmem>> -> memref<80xi32, #tpu.memory_space<vmem>>
      %dma_start3A_97 = arith.constant 0 : i32
      %dma_start3A_98 = tpu.memref_slice %arg3[%add3A, %run_scoped3A, %dma_start3A_97] : memref<32x125x80xi32, #tpu.memory_space<hbm>> -> memref<1x1x80xi32, #tpu.memory_space<hbm>>
      %dma_start3A_99 = tpu.memref_squeeze %dma_start3A_98 : memref<1x1x80xi32, #tpu.memory_space<hbm>> -> memref<80xi32, #tpu.memory_space<hbm>>
      tpu.enqueue_dma source(%dma_start3A_99 : memref<80xi32, #tpu.memory_space<hbm>>) target(%dma_start3A_96 : memref<80xi32, #tpu.memory_space<vmem>>) target_semaphore(%run_scoped3A_87 : memref<!tpu.dma_semaphore, #tpu.memory_space<semaphore_mem>>)
      %dma_wait3A_100 = arith.constant 0 : i32
      %dma_wait3A_101 = tpu.memref_slice %arg10[%run_scoped3A_5, %dma_wait3A_100] : memref<2x80xi32, #tpu.memory_space<vmem>> -> memref<1x80xi32, #tpu.memory_space<vmem>>
      %dma_wait3A_102 = tpu.memref_squeeze %dma_wait3A_101 : memref<1x80xi32, #tpu.memory_space<vmem>> -> memref<80xi32, #tpu.memory_space<vmem>>
      %dma_wait3A_103 = arith.constant 0 : i32
      %dma_wait3A_104 = tpu.memref_slice %arg3[%add3A, %run_scoped3A, %dma_wait3A_103] : memref<32x125x80xi32, #tpu.memory_space<hbm>> -> memref<1x1x80xi32, #tpu.memory_space<hbm>>
      %dma_wait3A_105 = tpu.memref_squeeze %dma_wait3A_104 : memref<1x1x80xi32, #tpu.memory_space<hbm>> -> memref<80xi32, #tpu.memory_space<hbm>>
      %dma_wait3A_106 = arith.constant 0 : i32
      %dma_wait3A_107 = tpu.memref_slice %arg10[%run_scoped3A_5, %dma_wait3A_106] : memref<2x80xi32, #tpu.memory_space<vmem>> -> memref<1x80xi32, #tpu.memory_space<vmem>>
      %dma_wait3A_108 = tpu.memref_squeeze %dma_wait3A_107 : memref<1x80xi32, #tpu.memory_space<vmem>> -> memref<80xi32, #tpu.memory_space<vmem>>
      %dma_wait3A_109 = arith.constant 0 : i32
      %dma_wait3A_110 = tpu.memref_slice %arg3[%add3A, %run_scoped3A, %dma_wait3A_109] : memref<32x125x80xi32, #tpu.memory_space<hbm>> -> memref<1x1x80xi32, #tpu.memory_space<hbm>>
      %dma_wait3A_111 = tpu.memref_squeeze %dma_wait3A_110 : memref<1x1x80xi32, #tpu.memory_space<hbm>> -> memref<80xi32, #tpu.memory_space<hbm>>
      tpu.wait_dma2 semaphore(%run_scoped3A_87 : memref<!tpu.dma_semaphore, #tpu.memory_space<semaphore_mem>>) src(%dma_wait3A_111 : memref<80xi32, #tpu.memory_space<hbm>>) dst(%dma_wait3A_108 : memref<80xi32, #tpu.memory_space<vmem>>)
      tpu.yield
    }) : () -> ()
    %run_scoped3A_6 = arith.constant 1 : i32
    %run_scoped3A_7 = arith.constant 1 : i32
    "tpu.region"() ({
      %run_scoped3A_87 = tpu.sem_alloc : memref<!tpu.dma_semaphore, #tpu.memory_space<semaphore_mem>>
      %dma_start3A_88 = arith.constant 0 : i32
      %dma_start3A_89 = tpu.memref_slice %arg10[%run_scoped3A_7, %dma_start3A_88] : memref<2x80xi32, #tpu.memory_space<vmem>> -> memref<1x80xi32, #tpu.memory_space<vmem>>
      %dma_start3A_90 = tpu.memref_squeeze %dma_start3A_89 : memref<1x80xi32, #tpu.memory_space<vmem>> -> memref<80xi32, #tpu.memory_space<vmem>>
      %dma_start3A_91 = arith.constant 0 : i32
      %dma_start3A_92 = tpu.memref_slice %arg3[%add3A, %run_scoped3A_6, %dma_start3A_91] : memref<32x125x80xi32, #tpu.memory_space<hbm>> -> memref<1x1x80xi32, #tpu.memory_space<hbm>>
      %dma_start3A_93 = tpu.memref_squeeze %dma_start3A_92 : memref<1x1x80xi32, #tpu.memory_space<hbm>> -> memref<80xi32, #tpu.memory_space<hbm>>
      %dma_start3A_94 = arith.constant 0 : i32
      %dma_start3A_95 = tpu.memref_slice %arg10[%run_scoped3A_7, %dma_start3A_94] : memref<2x80xi32, #tpu.memory_space<vmem>> -> memref<1x80xi32, #tpu.memory_space<vmem>>
      %dma_start3A_96 = tpu.memref_squeeze %dma_start3A_95 : memref<1x80xi32, #tpu.memory_space<vmem>> -> memref<80xi32, #tpu.memory_space<vmem>>
      %dma_start3A_97 = arith.constant 0 : i32
      %dma_start3A_98 = tpu.memref_slice %arg3[%add3A, %run_scoped3A_6, %dma_start3A_97] : memref<32x125x80xi32, #tpu.memory_space<hbm>> -> memref<1x1x80xi32, #tpu.memory_space<hbm>>
      %dma_start3A_99 = tpu.memref_squeeze %dma_start3A_98 : memref<1x1x80xi32, #tpu.memory_space<hbm>> -> memref<80xi32, #tpu.memory_space<hbm>>
      tpu.enqueue_dma source(%dma_start3A_99 : memref<80xi32, #tpu.memory_space<hbm>>) target(%dma_start3A_96 : memref<80xi32, #tpu.memory_space<vmem>>) target_semaphore(%run_scoped3A_87 : memref<!tpu.dma_semaphore, #tpu.memory_space<semaphore_mem>>)
      %dma_wait3A_100 = arith.constant 0 : i32
      %dma_wait3A_101 = tpu.memref_slice %arg10[%run_scoped3A_7, %dma_wait3A_100] : memref<2x80xi32, #tpu.memory_space<vmem>> -> memref<1x80xi32, #tpu.memory_space<vmem>>
      %dma_wait3A_102 = tpu.memref_squeeze %dma_wait3A_101 : memref<1x80xi32, #tpu.memory_space<vmem>> -> memref<80xi32, #tpu.memory_space<vmem>>
      %dma_wait3A_103 = arith.constant 0 : i32
      %dma_wait3A_104 = tpu.memref_slice %arg3[%add3A, %run_scoped3A_6, %dma_wait3A_103] : memref<32x125x80xi32, #tpu.memory_space<hbm>> -> memref<1x1x80xi32, #tpu.memory_space<hbm>>
      %dma_wait3A_105 = tpu.memref_squeeze %dma_wait3A_104 : memref<1x1x80xi32, #tpu.memory_space<hbm>> -> memref<80xi32, #tpu.memory_space<hbm>>
      %dma_wait3A_106 = arith.constant 0 : i32
      %dma_wait3A_107 = tpu.memref_slice %arg10[%run_scoped3A_7, %dma_wait3A_106] : memref<2x80xi32, #tpu.memory_space<vmem>> -> memref<1x80xi32, #tpu.memory_space<vmem>>
      %dma_wait3A_108 = tpu.memref_squeeze %dma_wait3A_107 : memref<1x80xi32, #tpu.memory_space<vmem>> -> memref<80xi32, #tpu.memory_space<vmem>>
      %dma_wait3A_109 = arith.constant 0 : i32
      %dma_wait3A_110 = tpu.memref_slice %arg3[%add3A, %run_scoped3A_6, %dma_wait3A_109] : memref<32x125x80xi32, #tpu.memory_space<hbm>> -> memref<1x1x80xi32, #tpu.memory_space<hbm>>
      %dma_wait3A_111 = tpu.memref_squeeze %dma_wait3A_110 : memref<1x1x80xi32, #tpu.memory_space<hbm>> -> memref<80xi32, #tpu.memory_space<hbm>>
      tpu.wait_dma2 semaphore(%run_scoped3A_87 : memref<!tpu.dma_semaphore, #tpu.memory_space<semaphore_mem>>) src(%dma_wait3A_111 : memref<80xi32, #tpu.memory_space<hbm>>) dst(%dma_wait3A_108 : memref<80xi32, #tpu.memory_space<vmem>>)
      tpu.yield
    }) : () -> ()
    "tpu.region"() ({
      %run_scoped3A_87 = tpu.sem_alloc : memref<!tpu.dma_semaphore, #tpu.memory_space<semaphore_mem>>
      %dma_start3A_88 = arith.constant 0 : i32
      %dma_start3A_89 = arith.constant 0 : i32
      %dma_start3A_90 = tpu.memref_slice %arg5[%dma_start3A_88, %dma_start3A_89] : memref<10080x128xf32, #tpu.memory_space<hbm>> -> memref<80x128xf32, #tpu.memory_space<hbm>>
      %dma_start3A_91 = arith.constant 0 : i32
      %dma_start3A_92 = arith.constant 0 : i32
      %dma_start3A_93 = tpu.memref_slice %arg5[%dma_start3A_91, %dma_start3A_92] : memref<10080x128xf32, #tpu.memory_space<hbm>> -> memref<80x128xf32, #tpu.memory_space<hbm>>
      tpu.enqueue_dma source(%dma_start3A_93 : memref<80x128xf32, #tpu.memory_space<hbm>>) target(%arg17 : memref<80x128xf32, #tpu.memory_space<vmem>>) target_semaphore(%run_scoped3A_87 : memref<!tpu.dma_semaphore, #tpu.memory_space<semaphore_mem>>)
      %dma_wait3A_94 = arith.constant 0 : i32
      %dma_wait3A_95 = arith.constant 0 : i32
      %dma_wait3A_96 = tpu.memref_slice %arg5[%dma_wait3A_94, %dma_wait3A_95] : memref<10080x128xf32, #tpu.memory_space<hbm>> -> memref<80x128xf32, #tpu.memory_space<hbm>>
      %dma_wait3A_97 = arith.constant 0 : i32
      %dma_wait3A_98 = arith.constant 0 : i32
      %dma_wait3A_99 = tpu.memref_slice %arg5[%dma_wait3A_97, %dma_wait3A_98] : memref<10080x128xf32, #tpu.memory_space<hbm>> -> memref<80x128xf32, #tpu.memory_space<hbm>>
      tpu.wait_dma2 semaphore(%run_scoped3A_87 : memref<!tpu.dma_semaphore, #tpu.memory_space<semaphore_mem>>) src(%dma_wait3A_99 : memref<80x128xf32, #tpu.memory_space<hbm>>) dst(%arg17 : memref<80x128xf32, #tpu.memory_space<vmem>>)
      tpu.yield
    }) : () -> ()
    "tpu.region"() ({
      %run_scoped3A_87 = tpu.sem_alloc : memref<!tpu.dma_semaphore, #tpu.memory_space<semaphore_mem>>
      tpu.enqueue_dma source(%arg6 : memref<80xi32, #tpu.memory_space<hbm>>) target(%arg18 : memref<80xi32, #tpu.memory_space<vmem>>) target_semaphore(%run_scoped3A_87 : memref<!tpu.dma_semaphore, #tpu.memory_space<semaphore_mem>>)
      tpu.wait_dma2 semaphore(%run_scoped3A_87 : memref<!tpu.dma_semaphore, #tpu.memory_space<semaphore_mem>>) src(%arg6 : memref<80xi32, #tpu.memory_space<hbm>>) dst(%arg18 : memref<80xi32, #tpu.memory_space<vmem>>)
      tpu.yield
    }) : () -> ()
    %broadcast_in_dim3A = arith.constant 1.000000e+00 : f32
    %broadcast_in_dim3A_8 = vector.broadcast %broadcast_in_dim3A : f32 to vector<16xf32>
    %barrier3A = arith.constant 0 : index
    tpu.barrier barrier_id(%barrier3A)
    %dma_start3A = arith.constant 0 : i32
    %dma_start3A_9 = arith.constant 0 : i32
    %dma_start3A_10 = tpu.memref_slice %arg10[%dma_start3A, %dma_start3A_9] : memref<2x80xi32, #tpu.memory_space<vmem>> -> memref<1x80xi32, #tpu.memory_space<vmem>>
    %dma_start3A_11 = tpu.memref_squeeze %dma_start3A_10 : memref<1x80xi32, #tpu.memory_space<vmem>> -> memref<80xi32, #tpu.memory_space<vmem>>
    %dma_start3A_12 = arith.constant 0 : i32
    %dma_start3A_13 = arith.constant 0 : i32
    %dma_start3A_14 = tpu.memref_slice %arg2[%dma_start3A_12, %dma_start3A_13] : memref<10000x128xf32, #tpu.memory_space<hbm>> -> memref<10000x128xf32, #tpu.memory_space<hbm>>
    tpu.enqueue_indirect_dma source(%dma_start3A_14 : memref<10000x128xf32, #tpu.memory_space<hbm>>) target(%arg11 : memref<80x128xf32, #tpu.memory_space<vmem>>) offsets(%dma_start3A_11 : memref<80xi32, #tpu.memory_space<vmem>>) semaphore(%arg13 : memref<!tpu.dma_semaphore, #tpu.memory_space<semaphore_mem>>)
    %dma_start3A_15 = arith.constant 1 : i32
    %dma_start3A_16 = arith.constant 0 : i32
    %dma_start3A_17 = tpu.memref_slice %arg10[%dma_start3A_15, %dma_start3A_16] : memref<2x80xi32, #tpu.memory_space<vmem>> -> memref<1x80xi32, #tpu.memory_space<vmem>>
    %dma_start3A_18 = tpu.memref_squeeze %dma_start3A_17 : memref<1x80xi32, #tpu.memory_space<vmem>> -> memref<80xi32, #tpu.memory_space<vmem>>
    %dma_start3A_19 = arith.constant 0 : i32
    %dma_start3A_20 = arith.constant 0 : i32
    %dma_start3A_21 = tpu.memref_slice %arg2[%dma_start3A_19, %dma_start3A_20] : memref<10000x128xf32, #tpu.memory_space<hbm>> -> memref<10000x128xf32, #tpu.memory_space<hbm>>
    tpu.enqueue_indirect_dma source(%dma_start3A_21 : memref<10000x128xf32, #tpu.memory_space<hbm>>) target(%arg12 : memref<80x128xf32, #tpu.memory_space<vmem>>) offsets(%dma_start3A_18 : memref<80xi32, #tpu.memory_space<vmem>>) semaphore(%arg14 : memref<!tpu.dma_semaphore, #tpu.memory_space<semaphore_mem>>)
    %scan3A = arith.constant 0 : i32
    %scan3A_22 = arith.constant 0 : i32
    %scan3A_23 = arith.constant 62 : i32
    %scan3A_24 = arith.addi %scan3A_22, %scan3A_23 : i32
    %scan3A_25 = arith.constant 1 : i32
    scf.for %scan3A_87 = %scan3A_22 to %scan3A_24 step %scan3A_25  : i32 {
      %mul3A_88 = arith.constant 2 : i32
      %mul3A_89 = arith.muli %mul3A_88, %scan3A_87 : i32
      %dma_wait3A_90 = arith.constant 0 : i32
      %dma_wait3A_91 = arith.constant 0 : i32
      %dma_wait3A_92 = tpu.memref_slice %arg10[%dma_wait3A_90, %dma_wait3A_91] : memref<2x80xi32, #tpu.memory_space<vmem>> -> memref<1x80xi32, #tpu.memory_space<vmem>>
      %dma_wait3A_93 = tpu.memref_squeeze %dma_wait3A_92 : memref<1x80xi32, #tpu.memory_space<vmem>> -> memref<80xi32, #tpu.memory_space<vmem>>
      %dma_wait3A_94 = arith.constant 0 : i32
      %dma_wait3A_95 = arith.constant 0 : i32
      %dma_wait3A_96 = tpu.memref_slice %arg2[%dma_wait3A_94, %dma_wait3A_95] : memref<10000x128xf32, #tpu.memory_space<hbm>> -> memref<10000x128xf32, #tpu.memory_space<hbm>>
      tpu.wait_indirect_dma semaphore(%arg13 : memref<!tpu.dma_semaphore, #tpu.memory_space<semaphore_mem>>) src(%dma_wait3A_96 : memref<10000x128xf32, #tpu.memory_space<hbm>>) dst(%arg11 : memref<80x128xf32, #tpu.memory_space<vmem>>)
      %add3A_97 = arith.constant 2 : i32
      %add3A_98 = arith.addi %mul3A_89, %add3A_97 : i32
      %lt3A = arith.constant 125 : i32
      %lt3A_99 = arith.cmpi slt, %add3A_98, %lt3A : i32
      %convert_element_type3A_100 = arith.extui %lt3A_99 : i1 to i32
      %cond3A_101 = arith.constant 0 : i32
      %cond3A_102 = arith.cmpi ne, %convert_element_type3A_100, %cond3A_101 : i32
      scf.if %cond3A_102 {
        %add3A_223 = arith.constant 2 : i32
        %add3A_224 = arith.addi %mul3A_89, %add3A_223 : i32
        %dma_start3A_225 = arith.constant 0 : i32
        %dma_start3A_226 = arith.constant 0 : i32
        %dma_start3A_227 = tpu.memref_slice %arg10[%dma_start3A_225, %dma_start3A_226] : memref<2x80xi32, #tpu.memory_space<vmem>> -> memref<1x80xi32, #tpu.memory_space<vmem>>
        %dma_start3A_228 = tpu.memref_squeeze %dma_start3A_227 : memref<1x80xi32, #tpu.memory_space<vmem>> -> memref<80xi32, #tpu.memory_space<vmem>>
        %dma_start3A_229 = arith.constant 0 : i32
        %dma_start3A_230 = tpu.memref_slice %arg3[%add3A, %add3A_224, %dma_start3A_229] : memref<32x125x80xi32, #tpu.memory_space<hbm>> -> memref<1x1x80xi32, #tpu.memory_space<hbm>>
        %dma_start3A_231 = tpu.memref_squeeze %dma_start3A_230 : memref<1x1x80xi32, #tpu.memory_space<hbm>> -> memref<80xi32, #tpu.memory_space<hbm>>
        %dma_start3A_232 = arith.constant 0 : i32
        %dma_start3A_233 = tpu.memref_slice %arg10[%dma_start3A_225, %dma_start3A_232] : memref<2x80xi32, #tpu.memory_space<vmem>> -> memref<1x80xi32, #tpu.memory_space<vmem>>
        %dma_start3A_234 = tpu.memref_squeeze %dma_start3A_233 : memref<1x80xi32, #tpu.memory_space<vmem>> -> memref<80xi32, #tpu.memory_space<vmem>>
        %dma_start3A_235 = arith.constant 0 : i32
        %dma_start3A_236 = tpu.memref_slice %arg3[%add3A, %add3A_224, %dma_start3A_235] : memref<32x125x80xi32, #tpu.memory_space<hbm>> -> memref<1x1x80xi32, #tpu.memory_space<hbm>>
        %dma_start3A_237 = tpu.memref_squeeze %dma_start3A_236 : memref<1x1x80xi32, #tpu.memory_space<hbm>> -> memref<80xi32, #tpu.memory_space<hbm>>
        tpu.enqueue_dma source(%dma_start3A_237 : memref<80xi32, #tpu.memory_space<hbm>>) target(%dma_start3A_234 : memref<80xi32, #tpu.memory_space<vmem>>) target_semaphore(%arg15 : memref<!tpu.dma_semaphore, #tpu.memory_space<semaphore_mem>>)
      } else {
      }
      "tpu.region"() ({
        %run_scoped3A_223 = tpu.sem_alloc : memref<!tpu.dma_semaphore, #tpu.memory_space<semaphore_mem>>
        %dma_start3A_224 = arith.constant 0 : i32
        %dma_start3A_225 = tpu.memref_slice %arg9[%mul3A_89, %dma_start3A_224] : memref<125x80xi32, #tpu.memory_space<vmem>> -> memref<1x80xi32, #tpu.memory_space<vmem>>
        %dma_start3A_226 = tpu.memref_squeeze %dma_start3A_225 : memref<1x80xi32, #tpu.memory_space<vmem>> -> memref<80xi32, #tpu.memory_space<vmem>>
        %dma_start3A_227 = arith.constant 0 : i32
        %dma_start3A_228 = arith.constant 0 : i32
        %dma_start3A_229 = tpu.memref_slice %arg8[%dma_start3A_227, %dma_start3A_228] : memref<10080x128xf32, #tpu.memory_space<vmem_shared>> -> memref<10080x128xf32, #tpu.memory_space<vmem_shared>>
        tpu.enqueue_indirect_dma source(%arg11 : memref<80x128xf32, #tpu.memory_space<vmem>>) target(%dma_start3A_229 : memref<10080x128xf32, #tpu.memory_space<vmem_shared>>) offsets(%dma_start3A_226 : memref<80xi32, #tpu.memory_space<vmem>>) semaphore(%run_scoped3A_223 : memref<!tpu.dma_semaphore, #tpu.memory_space<semaphore_mem>>) {add = true}
        %dma_wait3A_230 = arith.constant 0 : i32
        %dma_wait3A_231 = tpu.memref_slice %arg9[%mul3A_89, %dma_wait3A_230] : memref<125x80xi32, #tpu.memory_space<vmem>> -> memref<1x80xi32, #tpu.memory_space<vmem>>
        %dma_wait3A_232 = tpu.memref_squeeze %dma_wait3A_231 : memref<1x80xi32, #tpu.memory_space<vmem>> -> memref<80xi32, #tpu.memory_space<vmem>>
        %dma_wait3A_233 = arith.constant 0 : i32
        %dma_wait3A_234 = arith.constant 0 : i32
        %dma_wait3A_235 = tpu.memref_slice %arg8[%dma_wait3A_233, %dma_wait3A_234] : memref<10080x128xf32, #tpu.memory_space<vmem_shared>> -> memref<10080x128xf32, #tpu.memory_space<vmem_shared>>
        tpu.wait_indirect_dma semaphore(%run_scoped3A_223 : memref<!tpu.dma_semaphore, #tpu.memory_space<semaphore_mem>>) src(%arg11 : memref<80x128xf32, #tpu.memory_space<vmem>>) dst(%dma_wait3A_235 : memref<10080x128xf32, #tpu.memory_space<vmem_shared>>)
        tpu.yield
      }) : () -> ()
      %get3A_103 = arith.index_cast %mul3A_89 : i32 to index
      %get3A_104 = arith.constant 0 : index
      %get3A_105 = tpu.vector_load %arg9[%get3A_103, %get3A_104] {strides = array<i32>} : memref<125x80xi32, #tpu.memory_space<vmem>>, vector<16xi32>,
      %shift_right_logical3A_106 = arith.constant 7 : i32
      %shift_right_logical3A_107 = vector.broadcast %shift_right_logical3A_106 : i32 to vector<16xi32>
      %shift_right_logical3A_108 = arith.shrui %get3A_105, %shift_right_logical3A_107 : vector<16xi32>
      %and3A_109 = arith.constant 127 : i32
      %and3A_110 = vector.broadcast %and3A_109 : i32 to vector<16xi32>
      %and3A_111 = arith.andi %get3A_105, %and3A_110 : vector<16xi32>
      tpu.vector_store_idx %arg17[%shift_right_logical3A_108, %and3A_111], %broadcast_in_dim3A_8 {add = true} : memref<80x128xf32, #tpu.memory_space<vmem>>[vector<16xi32>, vector<16xi32>], vector<16xf32>,
      %get3A_112 = arith.index_cast %mul3A_89 : i32 to index
      %get3A_113 = arith.constant 16 : index
      %get3A_114 = tpu.vector_load %arg9[%get3A_112, %get3A_113] {strides = array<i32>} : memref<125x80xi32, #tpu.memory_space<vmem>>, vector<16xi32>,
      %shift_right_logical3A_115 = arith.constant 7 : i32
      %shift_right_logical3A_116 = vector.broadcast %shift_right_logical3A_115 : i32 to vector<16xi32>
      %shift_right_logical3A_117 = arith.shrui %get3A_114, %shift_right_logical3A_116 : vector<16xi32>
      %and3A_118 = arith.constant 127 : i32
      %and3A_119 = vector.broadcast %and3A_118 : i32 to vector<16xi32>
      %and3A_120 = arith.andi %get3A_114, %and3A_119 : vector<16xi32>
      tpu.vector_store_idx %arg17[%shift_right_logical3A_117, %and3A_120], %broadcast_in_dim3A_8 {add = true} : memref<80x128xf32, #tpu.memory_space<vmem>>[vector<16xi32>, vector<16xi32>], vector<16xf32>,
      %get3A_121 = arith.index_cast %mul3A_89 : i32 to index
      %get3A_122 = arith.constant 32 : index
      %get3A_123 = tpu.vector_load %arg9[%get3A_121, %get3A_122] {strides = array<i32>} : memref<125x80xi32, #tpu.memory_space<vmem>>, vector<16xi32>,
      %shift_right_logical3A_124 = arith.constant 7 : i32
      %shift_right_logical3A_125 = vector.broadcast %shift_right_logical3A_124 : i32 to vector<16xi32>
      %shift_right_logical3A_126 = arith.shrui %get3A_123, %shift_right_logical3A_125 : vector<16xi32>
      %and3A_127 = arith.constant 127 : i32
      %and3A_128 = vector.broadcast %and3A_127 : i32 to vector<16xi32>
      %and3A_129 = arith.andi %get3A_123, %and3A_128 : vector<16xi32>
      tpu.vector_store_idx %arg17[%shift_right_logical3A_126, %and3A_129], %broadcast_in_dim3A_8 {add = true} : memref<80x128xf32, #tpu.memory_space<vmem>>[vector<16xi32>, vector<16xi32>], vector<16xf32>,
      %get3A_130 = arith.index_cast %mul3A_89 : i32 to index
      %get3A_131 = arith.constant 48 : index
      %get3A_132 = tpu.vector_load %arg9[%get3A_130, %get3A_131] {strides = array<i32>} : memref<125x80xi32, #tpu.memory_space<vmem>>, vector<16xi32>,
      %shift_right_logical3A_133 = arith.constant 7 : i32
      %shift_right_logical3A_134 = vector.broadcast %shift_right_logical3A_133 : i32 to vector<16xi32>
      %shift_right_logical3A_135 = arith.shrui %get3A_132, %shift_right_logical3A_134 : vector<16xi32>
      %and3A_136 = arith.constant 127 : i32
      %and3A_137 = vector.broadcast %and3A_136 : i32 to vector<16xi32>
      %and3A_138 = arith.andi %get3A_132, %and3A_137 : vector<16xi32>
      tpu.vector_store_idx %arg17[%shift_right_logical3A_135, %and3A_138], %broadcast_in_dim3A_8 {add = true} : memref<80x128xf32, #tpu.memory_space<vmem>>[vector<16xi32>, vector<16xi32>], vector<16xf32>,
      %get3A_139 = arith.index_cast %mul3A_89 : i32 to index
      %get3A_140 = arith.constant 64 : index
      %get3A_141 = tpu.vector_load %arg9[%get3A_139, %get3A_140] {strides = array<i32>} : memref<125x80xi32, #tpu.memory_space<vmem>>, vector<16xi32>,
      %shift_right_logical3A_142 = arith.constant 7 : i32
      %shift_right_logical3A_143 = vector.broadcast %shift_right_logical3A_142 : i32 to vector<16xi32>
      %shift_right_logical3A_144 = arith.shrui %get3A_141, %shift_right_logical3A_143 : vector<16xi32>
      %and3A_145 = arith.constant 127 : i32
      %and3A_146 = vector.broadcast %and3A_145 : i32 to vector<16xi32>
      %and3A_147 = arith.andi %get3A_141, %and3A_146 : vector<16xi32>
      tpu.vector_store_idx %arg17[%shift_right_logical3A_144, %and3A_147], %broadcast_in_dim3A_8 {add = true} : memref<80x128xf32, #tpu.memory_space<vmem>>[vector<16xi32>, vector<16xi32>], vector<16xf32>,
      %add3A_148 = arith.constant 2 : i32
      %add3A_149 = arith.addi %mul3A_89, %add3A_148 : i32
      %lt3A_150 = arith.constant 125 : i32
      %lt3A_151 = arith.cmpi slt, %add3A_149, %lt3A_150 : i32
      %convert_element_type3A_152 = arith.extui %lt3A_151 : i1 to i32
      %cond3A_153 = arith.constant 0 : i32
      %cond3A_154 = arith.cmpi ne, %convert_element_type3A_152, %cond3A_153 : i32
      scf.if %cond3A_154 {
        %add3A_223 = arith.constant 2 : i32
        %add3A_224 = arith.addi %mul3A_89, %add3A_223 : i32
        %dma_wait3A_225 = arith.constant 0 : i32
        %dma_wait3A_226 = arith.constant 0 : i32
        %dma_wait3A_227 = tpu.memref_slice %arg10[%dma_wait3A_225, %dma_wait3A_226] : memref<2x80xi32, #tpu.memory_space<vmem>> -> memref<1x80xi32, #tpu.memory_space<vmem>>
        %dma_wait3A_228 = tpu.memref_squeeze %dma_wait3A_227 : memref<1x80xi32, #tpu.memory_space<vmem>> -> memref<80xi32, #tpu.memory_space<vmem>>
        %dma_wait3A_229 = arith.constant 0 : i32
        %dma_wait3A_230 = tpu.memref_slice %arg3[%add3A, %add3A_224, %dma_wait3A_229] : memref<32x125x80xi32, #tpu.memory_space<hbm>> -> memref<1x1x80xi32, #tpu.memory_space<hbm>>
        %dma_wait3A_231 = tpu.memref_squeeze %dma_wait3A_230 : memref<1x1x80xi32, #tpu.memory_space<hbm>> -> memref<80xi32, #tpu.memory_space<hbm>>
        %dma_wait3A_232 = arith.constant 0 : i32
        %dma_wait3A_233 = tpu.memref_slice %arg10[%dma_wait3A_225, %dma_wait3A_232] : memref<2x80xi32, #tpu.memory_space<vmem>> -> memref<1x80xi32, #tpu.memory_space<vmem>>
        %dma_wait3A_234 = tpu.memref_squeeze %dma_wait3A_233 : memref<1x80xi32, #tpu.memory_space<vmem>> -> memref<80xi32, #tpu.memory_space<vmem>>
        %dma_wait3A_235 = arith.constant 0 : i32
        %dma_wait3A_236 = tpu.memref_slice %arg3[%add3A, %add3A_224, %dma_wait3A_235] : memref<32x125x80xi32, #tpu.memory_space<hbm>> -> memref<1x1x80xi32, #tpu.memory_space<hbm>>
        %dma_wait3A_237 = tpu.memref_squeeze %dma_wait3A_236 : memref<1x1x80xi32, #tpu.memory_space<hbm>> -> memref<80xi32, #tpu.memory_space<hbm>>
        tpu.wait_dma2 semaphore(%arg15 : memref<!tpu.dma_semaphore, #tpu.memory_space<semaphore_mem>>) src(%dma_wait3A_237 : memref<80xi32, #tpu.memory_space<hbm>>) dst(%dma_wait3A_234 : memref<80xi32, #tpu.memory_space<vmem>>)
        %dma_start3A_238 = arith.constant 0 : i32
        %dma_start3A_239 = arith.constant 0 : i32
        %dma_start3A_240 = tpu.memref_slice %arg10[%dma_start3A_238, %dma_start3A_239] : memref<2x80xi32, #tpu.memory_space<vmem>> -> memref<1x80xi32, #tpu.memory_space<vmem>>
        %dma_start3A_241 = tpu.memref_squeeze %dma_start3A_240 : memref<1x80xi32, #tpu.memory_space<vmem>> -> memref<80xi32, #tpu.memory_space<vmem>>
        %dma_start3A_242 = arith.constant 0 : i32
        %dma_start3A_243 = arith.constant 0 : i32
        %dma_start3A_244 = tpu.memref_slice %arg2[%dma_start3A_242, %dma_start3A_243] : memref<10000x128xf32, #tpu.memory_space<hbm>> -> memref<10000x128xf32, #tpu.memory_space<hbm>>
        tpu.enqueue_indirect_dma source(%dma_start3A_244 : memref<10000x128xf32, #tpu.memory_space<hbm>>) target(%arg11 : memref<80x128xf32, #tpu.memory_space<vmem>>) offsets(%dma_start3A_241 : memref<80xi32, #tpu.memory_space<vmem>>) semaphore(%arg13 : memref<!tpu.dma_semaphore, #tpu.memory_space<semaphore_mem>>)
      } else {
      }
      %add3A_155 = arith.constant 1 : i32
      %add3A_156 = arith.addi %mul3A_89, %add3A_155 : i32
      %dma_wait3A_157 = arith.constant 1 : i32
      %dma_wait3A_158 = arith.constant 0 : i32
      %dma_wait3A_159 = tpu.memref_slice %arg10[%dma_wait3A_157, %dma_wait3A_158] : memref<2x80xi32, #tpu.memory_space<vmem>> -> memref<1x80xi32, #tpu.memory_space<vmem>>
      %dma_wait3A_160 = tpu.memref_squeeze %dma_wait3A_159 : memref<1x80xi32, #tpu.memory_space<vmem>> -> memref<80xi32, #tpu.memory_space<vmem>>
      %dma_wait3A_161 = arith.constant 0 : i32
      %dma_wait3A_162 = arith.constant 0 : i32
      %dma_wait3A_163 = tpu.memref_slice %arg2[%dma_wait3A_161, %dma_wait3A_162] : memref<10000x128xf32, #tpu.memory_space<hbm>> -> memref<10000x128xf32, #tpu.memory_space<hbm>>
      tpu.wait_indirect_dma semaphore(%arg14 : memref<!tpu.dma_semaphore, #tpu.memory_space<semaphore_mem>>) src(%dma_wait3A_163 : memref<10000x128xf32, #tpu.memory_space<hbm>>) dst(%arg12 : memref<80x128xf32, #tpu.memory_space<vmem>>)
      %add3A_164 = arith.constant 2 : i32
      %add3A_165 = arith.addi %add3A_156, %add3A_164 : i32
      %lt3A_166 = arith.constant 125 : i32
      %lt3A_167 = arith.cmpi slt, %add3A_165, %lt3A_166 : i32
      %convert_element_type3A_168 = arith.extui %lt3A_167 : i1 to i32
      %cond3A_169 = arith.constant 0 : i32
      %cond3A_170 = arith.cmpi ne, %convert_element_type3A_168, %cond3A_169 : i32
      scf.if %cond3A_170 {
        %add3A_223 = arith.constant 2 : i32
        %add3A_224 = arith.addi %add3A_156, %add3A_223 : i32
        %dma_start3A_225 = arith.constant 1 : i32
        %dma_start3A_226 = arith.constant 0 : i32
        %dma_start3A_227 = tpu.memref_slice %arg10[%dma_start3A_225, %dma_start3A_226] : memref<2x80xi32, #tpu.memory_space<vmem>> -> memref<1x80xi32, #tpu.memory_space<vmem>>
        %dma_start3A_228 = tpu.memref_squeeze %dma_start3A_227 : memref<1x80xi32, #tpu.memory_space<vmem>> -> memref<80xi32, #tpu.memory_space<vmem>>
        %dma_start3A_229 = arith.constant 0 : i32
        %dma_start3A_230 = tpu.memref_slice %arg3[%add3A, %add3A_224, %dma_start3A_229] : memref<32x125x80xi32, #tpu.memory_space<hbm>> -> memref<1x1x80xi32, #tpu.memory_space<hbm>>
        %dma_start3A_231 = tpu.memref_squeeze %dma_start3A_230 : memref<1x1x80xi32, #tpu.memory_space<hbm>> -> memref<80xi32, #tpu.memory_space<hbm>>
        %dma_start3A_232 = arith.constant 0 : i32
        %dma_start3A_233 = tpu.memref_slice %arg10[%dma_start3A_225, %dma_start3A_232] : memref<2x80xi32, #tpu.memory_space<vmem>> -> memref<1x80xi32, #tpu.memory_space<vmem>>
        %dma_start3A_234 = tpu.memref_squeeze %dma_start3A_233 : memref<1x80xi32, #tpu.memory_space<vmem>> -> memref<80xi32, #tpu.memory_space<vmem>>
        %dma_start3A_235 = arith.constant 0 : i32
        %dma_start3A_236 = tpu.memref_slice %arg3[%add3A, %add3A_224, %dma_start3A_235] : memref<32x125x80xi32, #tpu.memory_space<hbm>> -> memref<1x1x80xi32, #tpu.memory_space<hbm>>
        %dma_start3A_237 = tpu.memref_squeeze %dma_start3A_236 : memref<1x1x80xi32, #tpu.memory_space<hbm>> -> memref<80xi32, #tpu.memory_space<hbm>>
        tpu.enqueue_dma source(%dma_start3A_237 : memref<80xi32, #tpu.memory_space<hbm>>) target(%dma_start3A_234 : memref<80xi32, #tpu.memory_space<vmem>>) target_semaphore(%arg16 : memref<!tpu.dma_semaphore, #tpu.memory_space<semaphore_mem>>)
      } else {
      }
      "tpu.region"() ({
        %run_scoped3A_223 = tpu.sem_alloc : memref<!tpu.dma_semaphore, #tpu.memory_space<semaphore_mem>>
        %dma_start3A_224 = arith.constant 0 : i32
        %dma_start3A_225 = tpu.memref_slice %arg9[%add3A_156, %dma_start3A_224] : memref<125x80xi32, #tpu.memory_space<vmem>> -> memref<1x80xi32, #tpu.memory_space<vmem>>
        %dma_start3A_226 = tpu.memref_squeeze %dma_start3A_225 : memref<1x80xi32, #tpu.memory_space<vmem>> -> memref<80xi32, #tpu.memory_space<vmem>>
        %dma_start3A_227 = arith.constant 0 : i32
        %dma_start3A_228 = arith.constant 0 : i32
        %dma_start3A_229 = tpu.memref_slice %arg8[%dma_start3A_227, %dma_start3A_228] : memref<10080x128xf32, #tpu.memory_space<vmem_shared>> -> memref<10080x128xf32, #tpu.memory_space<vmem_shared>>
        tpu.enqueue_indirect_dma source(%arg12 : memref<80x128xf32, #tpu.memory_space<vmem>>) target(%dma_start3A_229 : memref<10080x128xf32, #tpu.memory_space<vmem_shared>>) offsets(%dma_start3A_226 : memref<80xi32, #tpu.memory_space<vmem>>) semaphore(%run_scoped3A_223 : memref<!tpu.dma_semaphore, #tpu.memory_space<semaphore_mem>>) {add = true}
        %dma_wait3A_230 = arith.constant 0 : i32
        %dma_wait3A_231 = tpu.memref_slice %arg9[%add3A_156, %dma_wait3A_230] : memref<125x80xi32, #tpu.memory_space<vmem>> -> memref<1x80xi32, #tpu.memory_space<vmem>>
        %dma_wait3A_232 = tpu.memref_squeeze %dma_wait3A_231 : memref<1x80xi32, #tpu.memory_space<vmem>> -> memref<80xi32, #tpu.memory_space<vmem>>
        %dma_wait3A_233 = arith.constant 0 : i32
        %dma_wait3A_234 = arith.constant 0 : i32
        %dma_wait3A_235 = tpu.memref_slice %arg8[%dma_wait3A_233, %dma_wait3A_234] : memref<10080x128xf32, #tpu.memory_space<vmem_shared>> -> memref<10080x128xf32, #tpu.memory_space<vmem_shared>>
        tpu.wait_indirect_dma semaphore(%run_scoped3A_223 : memref<!tpu.dma_semaphore, #tpu.memory_space<semaphore_mem>>) src(%arg12 : memref<80x128xf32, #tpu.memory_space<vmem>>) dst(%dma_wait3A_235 : memref<10080x128xf32, #tpu.memory_space<vmem_shared>>)
        tpu.yield
      }) : () -> ()
      %get3A_171 = arith.index_cast %add3A_156 : i32 to index
      %get3A_172 = arith.constant 0 : index
      %get3A_173 = tpu.vector_load %arg9[%get3A_171, %get3A_172] {strides = array<i32>} : memref<125x80xi32, #tpu.memory_space<vmem>>, vector<16xi32>,
      %shift_right_logical3A_174 = arith.constant 7 : i32
      %shift_right_logical3A_175 = vector.broadcast %shift_right_logical3A_174 : i32 to vector<16xi32>
      %shift_right_logical3A_176 = arith.shrui %get3A_173, %shift_right_logical3A_175 : vector<16xi32>
      %and3A_177 = arith.constant 127 : i32
      %and3A_178 = vector.broadcast %and3A_177 : i32 to vector<16xi32>
      %and3A_179 = arith.andi %get3A_173, %and3A_178 : vector<16xi32>
      tpu.vector_store_idx %arg17[%shift_right_logical3A_176, %and3A_179], %broadcast_in_dim3A_8 {add = true} : memref<80x128xf32, #tpu.memory_space<vmem>>[vector<16xi32>, vector<16xi32>], vector<16xf32>,
      %get3A_180 = arith.index_cast %add3A_156 : i32 to index
      %get3A_181 = arith.constant 16 : index
      %get3A_182 = tpu.vector_load %arg9[%get3A_180, %get3A_181] {strides = array<i32>} : memref<125x80xi32, #tpu.memory_space<vmem>>, vector<16xi32>,
      %shift_right_logical3A_183 = arith.constant 7 : i32
      %shift_right_logical3A_184 = vector.broadcast %shift_right_logical3A_183 : i32 to vector<16xi32>
      %shift_right_logical3A_185 = arith.shrui %get3A_182, %shift_right_logical3A_184 : vector<16xi32>
      %and3A_186 = arith.constant 127 : i32
      %and3A_187 = vector.broadcast %and3A_186 : i32 to vector<16xi32>
      %and3A_188 = arith.andi %get3A_182, %and3A_187 : vector<16xi32>
      tpu.vector_store_idx %arg17[%shift_right_logical3A_185, %and3A_188], %broadcast_in_dim3A_8 {add = true} : memref<80x128xf32, #tpu.memory_space<vmem>>[vector<16xi32>, vector<16xi32>], vector<16xf32>,
      %get3A_189 = arith.index_cast %add3A_156 : i32 to index
      %get3A_190 = arith.constant 32 : index
      %get3A_191 = tpu.vector_load %arg9[%get3A_189, %get3A_190] {strides = array<i32>} : memref<125x80xi32, #tpu.memory_space<vmem>>, vector<16xi32>,
      %shift_right_logical3A_192 = arith.constant 7 : i32
      %shift_right_logical3A_193 = vector.broadcast %shift_right_logical3A_192 : i32 to vector<16xi32>
      %shift_right_logical3A_194 = arith.shrui %get3A_191, %shift_right_logical3A_193 : vector<16xi32>
      %and3A_195 = arith.constant 127 : i32
      %and3A_196 = vector.broadcast %and3A_195 : i32 to vector<16xi32>
      %and3A_197 = arith.andi %get3A_191, %and3A_196 : vector<16xi32>
      tpu.vector_store_idx %arg17[%shift_right_logical3A_194, %and3A_197], %broadcast_in_dim3A_8 {add = true} : memref<80x128xf32, #tpu.memory_space<vmem>>[vector<16xi32>, vector<16xi32>], vector<16xf32>,
      %get3A_198 = arith.index_cast %add3A_156 : i32 to index
      %get3A_199 = arith.constant 48 : index
      %get3A_200 = tpu.vector_load %arg9[%get3A_198, %get3A_199] {strides = array<i32>} : memref<125x80xi32, #tpu.memory_space<vmem>>, vector<16xi32>,
      %shift_right_logical3A_201 = arith.constant 7 : i32
      %shift_right_logical3A_202 = vector.broadcast %shift_right_logical3A_201 : i32 to vector<16xi32>
      %shift_right_logical3A_203 = arith.shrui %get3A_200, %shift_right_logical3A_202 : vector<16xi32>
      %and3A_204 = arith.constant 127 : i32
      %and3A_205 = vector.broadcast %and3A_204 : i32 to vector<16xi32>
      %and3A_206 = arith.andi %get3A_200, %and3A_205 : vector<16xi32>
      tpu.vector_store_idx %arg17[%shift_right_logical3A_203, %and3A_206], %broadcast_in_dim3A_8 {add = true} : memref<80x128xf32, #tpu.memory_space<vmem>>[vector<16xi32>, vector<16xi32>], vector<16xf32>,
      %get3A_207 = arith.index_cast %add3A_156 : i32 to index
      %get3A_208 = arith.constant 64 : index
      %get3A_209 = tpu.vector_load %arg9[%get3A_207, %get3A_208] {strides = array<i32>} : memref<125x80xi32, #tpu.memory_space<vmem>>, vector<16xi32>,
      %shift_right_logical3A_210 = arith.constant 7 : i32
      %shift_right_logical3A_211 = vector.broadcast %shift_right_logical3A_210 : i32 to vector<16xi32>
      %shift_right_logical3A_212 = arith.shrui %get3A_209, %shift_right_logical3A_211 : vector<16xi32>
      %and3A_213 = arith.constant 127 : i32
      %and3A_214 = vector.broadcast %and3A_213 : i32 to vector<16xi32>
      %and3A_215 = arith.andi %get3A_209, %and3A_214 : vector<16xi32>
      tpu.vector_store_idx %arg17[%shift_right_logical3A_212, %and3A_215], %broadcast_in_dim3A_8 {add = true} : memref<80x128xf32, #tpu.memory_space<vmem>>[vector<16xi32>, vector<16xi32>], vector<16xf32>,
      %add3A_216 = arith.constant 2 : i32
      %add3A_217 = arith.addi %add3A_156, %add3A_216 : i32
      %lt3A_218 = arith.constant 125 : i32
      %lt3A_219 = arith.cmpi slt, %add3A_217, %lt3A_218 : i32
      %convert_element_type3A_220 = arith.extui %lt3A_219 : i1 to i32
      %cond3A_221 = arith.constant 0 : i32
      %cond3A_222 = arith.cmpi ne, %convert_element_type3A_220, %cond3A_221 : i32
      scf.if %cond3A_222 {
        %add3A_223 = arith.constant 2 : i32
        %add3A_224 = arith.addi %add3A_156, %add3A_223 : i32
        %dma_wait3A_225 = arith.constant 1 : i32
        %dma_wait3A_226 = arith.constant 0 : i32
        %dma_wait3A_227 = tpu.memref_slice %arg10[%dma_wait3A_225, %dma_wait3A_226] : memref<2x80xi32, #tpu.memory_space<vmem>> -> memref<1x80xi32, #tpu.memory_space<vmem>>
        %dma_wait3A_228 = tpu.memref_squeeze %dma_wait3A_227 : memref<1x80xi32, #tpu.memory_space<vmem>> -> memref<80xi32, #tpu.memory_space<vmem>>
        %dma_wait3A_229 = arith.constant 0 : i32
        %dma_wait3A_230 = tpu.memref_slice %arg3[%add3A, %add3A_224, %dma_wait3A_229] : memref<32x125x80xi32, #tpu.memory_space<hbm>> -> memref<1x1x80xi32, #tpu.memory_space<hbm>>
        %dma_wait3A_231 = tpu.memref_squeeze %dma_wait3A_230 : memref<1x1x80xi32, #tpu.memory_space<hbm>> -> memref<80xi32, #tpu.memory_space<hbm>>
        %dma_wait3A_232 = arith.constant 0 : i32
        %dma_wait3A_233 = tpu.memref_slice %arg10[%dma_wait3A_225, %dma_wait3A_232] : memref<2x80xi32, #tpu.memory_space<vmem>> -> memref<1x80xi32, #tpu.memory_space<vmem>>
        %dma_wait3A_234 = tpu.memref_squeeze %dma_wait3A_233 : memref<1x80xi32, #tpu.memory_space<vmem>> -> memref<80xi32, #tpu.memory_space<vmem>>
        %dma_wait3A_235 = arith.constant 0 : i32
        %dma_wait3A_236 = tpu.memref_slice %arg3[%add3A, %add3A_224, %dma_wait3A_235] : memref<32x125x80xi32, #tpu.memory_space<hbm>> -> memref<1x1x80xi32, #tpu.memory_space<hbm>>
        %dma_wait3A_237 = tpu.memref_squeeze %dma_wait3A_236 : memref<1x1x80xi32, #tpu.memory_space<hbm>> -> memref<80xi32, #tpu.memory_space<hbm>>
        tpu.wait_dma2 semaphore(%arg16 : memref<!tpu.dma_semaphore, #tpu.memory_space<semaphore_mem>>) src(%dma_wait3A_237 : memref<80xi32, #tpu.memory_space<hbm>>) dst(%dma_wait3A_234 : memref<80xi32, #tpu.memory_space<vmem>>)
        %dma_start3A_238 = arith.constant 1 : i32
        %dma_start3A_239 = arith.constant 0 : i32
        %dma_start3A_240 = tpu.memref_slice %arg10[%dma_start3A_238, %dma_start3A_239] : memref<2x80xi32, #tpu.memory_space<vmem>> -> memref<1x80xi32, #tpu.memory_space<vmem>>
        %dma_start3A_241 = tpu.memref_squeeze %dma_start3A_240 : memref<1x80xi32, #tpu.memory_space<vmem>> -> memref<80xi32, #tpu.memory_space<vmem>>
        %dma_start3A_242 = arith.constant 0 : i32
        %dma_start3A_243 = arith.constant 0 : i32
        %dma_start3A_244 = tpu.memref_slice %arg2[%dma_start3A_242, %dma_start3A_243] : memref<10000x128xf32, #tpu.memory_space<hbm>> -> memref<10000x128xf32, #tpu.memory_space<hbm>>
        tpu.enqueue_indirect_dma source(%dma_start3A_244 : memref<10000x128xf32, #tpu.memory_space<hbm>>) target(%arg12 : memref<80x128xf32, #tpu.memory_space<vmem>>) offsets(%dma_start3A_241 : memref<80xi32, #tpu.memory_space<vmem>>) semaphore(%arg14 : memref<!tpu.dma_semaphore, #tpu.memory_space<semaphore_mem>>)
      } else {
      }
    }
    %scan3A_26 = arith.constant 62 : i32
    %dma_wait3A = arith.constant 0 : i32
    %dma_wait3A_27 = arith.constant 0 : i32
    %dma_wait3A_28 = tpu.memref_slice %arg10[%dma_wait3A, %dma_wait3A_27] : memref<2x80xi32, #tpu.memory_space<vmem>> -> memref<1x80xi32, #tpu.memory_space<vmem>>
    %dma_wait3A_29 = tpu.memref_squeeze %dma_wait3A_28 : memref<1x80xi32, #tpu.memory_space<vmem>> -> memref<80xi32, #tpu.memory_space<vmem>>
    %dma_wait3A_30 = arith.constant 0 : i32
    %dma_wait3A_31 = arith.constant 0 : i32
    %dma_wait3A_32 = tpu.memref_slice %arg2[%dma_wait3A_30, %dma_wait3A_31] : memref<10000x128xf32, #tpu.memory_space<hbm>> -> memref<10000x128xf32, #tpu.memory_space<hbm>>
    tpu.wait_indirect_dma semaphore(%arg13 : memref<!tpu.dma_semaphore, #tpu.memory_space<semaphore_mem>>) src(%dma_wait3A_32 : memref<10000x128xf32, #tpu.memory_space<hbm>>) dst(%arg11 : memref<80x128xf32, #tpu.memory_space<vmem>>)
    %run_scoped3A_33 = arith.constant 124 : i32
    "tpu.region"() ({
      %run_scoped3A_87 = tpu.sem_alloc : memref<!tpu.dma_semaphore, #tpu.memory_space<semaphore_mem>>
      %dma_start3A_88 = arith.constant 0 : i32
      %dma_start3A_89 = tpu.memref_slice %arg9[%run_scoped3A_33, %dma_start3A_88] : memref<125x80xi32, #tpu.memory_space<vmem>> -> memref<1x80xi32, #tpu.memory_space<vmem>>
      %dma_start3A_90 = tpu.memref_squeeze %dma_start3A_89 : memref<1x80xi32, #tpu.memory_space<vmem>> -> memref<80xi32, #tpu.memory_space<vmem>>
      %dma_start3A_91 = arith.constant 0 : i32
      %dma_start3A_92 = arith.constant 0 : i32
      %dma_start3A_93 = tpu.memref_slice %arg8[%dma_start3A_91, %dma_start3A_92] : memref<10080x128xf32, #tpu.memory_space<vmem_shared>> -> memref<10080x128xf32, #tpu.memory_space<vmem_shared>>
      tpu.enqueue_indirect_dma source(%arg11 : memref<80x128xf32, #tpu.memory_space<vmem>>) target(%dma_start3A_93 : memref<10080x128xf32, #tpu.memory_space<vmem_shared>>) offsets(%dma_start3A_90 : memref<80xi32, #tpu.memory_space<vmem>>) semaphore(%run_scoped3A_87 : memref<!tpu.dma_semaphore, #tpu.memory_space<semaphore_mem>>) {add = true}
      %dma_wait3A_94 = arith.constant 0 : i32
      %dma_wait3A_95 = tpu.memref_slice %arg9[%run_scoped3A_33, %dma_wait3A_94] : memref<125x80xi32, #tpu.memory_space<vmem>> -> memref<1x80xi32, #tpu.memory_space<vmem>>
      %dma_wait3A_96 = tpu.memref_squeeze %dma_wait3A_95 : memref<1x80xi32, #tpu.memory_space<vmem>> -> memref<80xi32, #tpu.memory_space<vmem>>
      %dma_wait3A_97 = arith.constant 0 : i32
      %dma_wait3A_98 = arith.constant 0 : i32
      %dma_wait3A_99 = tpu.memref_slice %arg8[%dma_wait3A_97, %dma_wait3A_98] : memref<10080x128xf32, #tpu.memory_space<vmem_shared>> -> memref<10080x128xf32, #tpu.memory_space<vmem_shared>>
      tpu.wait_indirect_dma semaphore(%run_scoped3A_87 : memref<!tpu.dma_semaphore, #tpu.memory_space<semaphore_mem>>) src(%arg11 : memref<80x128xf32, #tpu.memory_space<vmem>>) dst(%dma_wait3A_99 : memref<10080x128xf32, #tpu.memory_space<vmem_shared>>)
      tpu.yield
    }) : () -> ()
    %get3A = arith.constant 124 : i32
    %get3A_34 = arith.index_cast %get3A : i32 to index
    %get3A_35 = arith.constant 0 : index
    %get3A_36 = tpu.vector_load %arg9[%get3A_34, %get3A_35] {strides = array<i32>} : memref<125x80xi32, #tpu.memory_space<vmem>>, vector<16xi32>,
    %shift_right_logical3A = arith.constant 7 : i32
    %shift_right_logical3A_37 = vector.broadcast %shift_right_logical3A : i32 to vector<16xi32>
    %shift_right_logical3A_38 = arith.shrui %get3A_36, %shift_right_logical3A_37 : vector<16xi32>
    %and3A = arith.constant 127 : i32
    %and3A_39 = vector.broadcast %and3A : i32 to vector<16xi32>
    %and3A_40 = arith.andi %get3A_36, %and3A_39 : vector<16xi32>
    tpu.vector_store_idx %arg17[%shift_right_logical3A_38, %and3A_40], %broadcast_in_dim3A_8 {add = true} : memref<80x128xf32, #tpu.memory_space<vmem>>[vector<16xi32>, vector<16xi32>], vector<16xf32>,
    %get3A_41 = arith.constant 124 : i32
    %get3A_42 = arith.index_cast %get3A_41 : i32 to index
    %get3A_43 = arith.constant 16 : index
    %get3A_44 = tpu.vector_load %arg9[%get3A_42, %get3A_43] {strides = array<i32>} : memref<125x80xi32, #tpu.memory_space<vmem>>, vector<16xi32>,
    %shift_right_logical3A_45 = arith.constant 7 : i32
    %shift_right_logical3A_46 = vector.broadcast %shift_right_logical3A_45 : i32 to vector<16xi32>
    %shift_right_logical3A_47 = arith.shrui %get3A_44, %shift_right_logical3A_46 : vector<16xi32>
    %and3A_48 = arith.constant 127 : i32
    %and3A_49 = vector.broadcast %and3A_48 : i32 to vector<16xi32>
    %and3A_50 = arith.andi %get3A_44, %and3A_49 : vector<16xi32>
    tpu.vector_store_idx %arg17[%shift_right_logical3A_47, %and3A_50], %broadcast_in_dim3A_8 {add = true} : memref<80x128xf32, #tpu.memory_space<vmem>>[vector<16xi32>, vector<16xi32>], vector<16xf32>,
    %get3A_51 = arith.constant 124 : i32
    %get3A_52 = arith.index_cast %get3A_51 : i32 to index
    %get3A_53 = arith.constant 32 : index
    %get3A_54 = tpu.vector_load %arg9[%get3A_52, %get3A_53] {strides = array<i32>} : memref<125x80xi32, #tpu.memory_space<vmem>>, vector<16xi32>,
    %shift_right_logical3A_55 = arith.constant 7 : i32
    %shift_right_logical3A_56 = vector.broadcast %shift_right_logical3A_55 : i32 to vector<16xi32>
    %shift_right_logical3A_57 = arith.shrui %get3A_54, %shift_right_logical3A_56 : vector<16xi32>
    %and3A_58 = arith.constant 127 : i32
    %and3A_59 = vector.broadcast %and3A_58 : i32 to vector<16xi32>
    %and3A_60 = arith.andi %get3A_54, %and3A_59 : vector<16xi32>
    tpu.vector_store_idx %arg17[%shift_right_logical3A_57, %and3A_60], %broadcast_in_dim3A_8 {add = true} : memref<80x128xf32, #tpu.memory_space<vmem>>[vector<16xi32>, vector<16xi32>], vector<16xf32>,
    %get3A_61 = arith.constant 124 : i32
    %get3A_62 = arith.index_cast %get3A_61 : i32 to index
    %get3A_63 = arith.constant 48 : index
    %get3A_64 = tpu.vector_load %arg9[%get3A_62, %get3A_63] {strides = array<i32>} : memref<125x80xi32, #tpu.memory_space<vmem>>, vector<16xi32>,
    %shift_right_logical3A_65 = arith.constant 7 : i32
    %shift_right_logical3A_66 = vector.broadcast %shift_right_logical3A_65 : i32 to vector<16xi32>
    %shift_right_logical3A_67 = arith.shrui %get3A_64, %shift_right_logical3A_66 : vector<16xi32>
    %and3A_68 = arith.constant 127 : i32
    %and3A_69 = vector.broadcast %and3A_68 : i32 to vector<16xi32>
    %and3A_70 = arith.andi %get3A_64, %and3A_69 : vector<16xi32>
    tpu.vector_store_idx %arg17[%shift_right_logical3A_67, %and3A_70], %broadcast_in_dim3A_8 {add = true} : memref<80x128xf32, #tpu.memory_space<vmem>>[vector<16xi32>, vector<16xi32>], vector<16xf32>,
    %get3A_71 = arith.constant 124 : i32
    %get3A_72 = arith.index_cast %get3A_71 : i32 to index
    %get3A_73 = arith.constant 64 : index
    %get3A_74 = tpu.vector_load %arg9[%get3A_72, %get3A_73] {strides = array<i32>} : memref<125x80xi32, #tpu.memory_space<vmem>>, vector<16xi32>,
    %shift_right_logical3A_75 = arith.constant 7 : i32
    %shift_right_logical3A_76 = vector.broadcast %shift_right_logical3A_75 : i32 to vector<16xi32>
    %shift_right_logical3A_77 = arith.shrui %get3A_74, %shift_right_logical3A_76 : vector<16xi32>
    %and3A_78 = arith.constant 127 : i32
    %and3A_79 = vector.broadcast %and3A_78 : i32 to vector<16xi32>
    %and3A_80 = arith.andi %get3A_74, %and3A_79 : vector<16xi32>
    tpu.vector_store_idx %arg17[%shift_right_logical3A_77, %and3A_80], %broadcast_in_dim3A_8 {add = true} : memref<80x128xf32, #tpu.memory_space<vmem>>[vector<16xi32>, vector<16xi32>], vector<16xf32>,
    "tpu.region"() ({
      %run_scoped3A_87 = tpu.sem_alloc : memref<!tpu.dma_semaphore, #tpu.memory_space<semaphore_mem>>
      %dma_start3A_88 = arith.constant 0 : i32
      %dma_start3A_89 = arith.constant 0 : i32
      %dma_start3A_90 = tpu.memref_slice %arg8[%dma_start3A_88, %dma_start3A_89] : memref<10080x128xf32, #tpu.memory_space<vmem_shared>> -> memref<10080x128xf32, #tpu.memory_space<vmem_shared>>
      tpu.enqueue_indirect_dma source(%arg17 : memref<80x128xf32, #tpu.memory_space<vmem>>) target(%dma_start3A_90 : memref<10080x128xf32, #tpu.memory_space<vmem_shared>>) offsets(%arg18 : memref<80xi32, #tpu.memory_space<vmem>>) semaphore(%run_scoped3A_87 : memref<!tpu.dma_semaphore, #tpu.memory_space<semaphore_mem>>) {add = true}
      %dma_wait3A_91 = arith.constant 0 : i32
      %dma_wait3A_92 = arith.constant 0 : i32
      %dma_wait3A_93 = tpu.memref_slice %arg8[%dma_wait3A_91, %dma_wait3A_92] : memref<10080x128xf32, #tpu.memory_space<vmem_shared>> -> memref<10080x128xf32, #tpu.memory_space<vmem_shared>>
      tpu.wait_indirect_dma semaphore(%run_scoped3A_87 : memref<!tpu.dma_semaphore, #tpu.memory_space<semaphore_mem>>) src(%arg17 : memref<80x128xf32, #tpu.memory_space<vmem>>) dst(%dma_wait3A_93 : memref<10080x128xf32, #tpu.memory_space<vmem_shared>>)
      tpu.yield
    }) : () -> ()
    %barrier3A_81 = arith.constant 0 : index
    tpu.barrier barrier_id(%barrier3A_81)
    "tpu.region"() ({
      %run_scoped3A_87 = tpu.sem_alloc : memref<!tpu.dma_semaphore, #tpu.memory_space<semaphore_mem>>
      %dma_start3A_88 = arith.constant 0 : i32
      %dma_start3A_89 = tpu.memref_slice %arg7[%arg0, %multiple_of3A, %dma_start3A_88] : memref<2x10080x128xf32, #tpu.memory_space<hbm>> -> memref<1x624x128xf32, #tpu.memory_space<hbm>>
      %dma_start3A_90 = tpu.memref_squeeze %dma_start3A_89 : memref<1x624x128xf32, #tpu.memory_space<hbm>> -> memref<624x128xf32, #tpu.memory_space<hbm>>
      %dma_start3A_91 = arith.constant 0 : i32
      %dma_start3A_92 = tpu.memref_slice %arg8[%multiple_of3A, %dma_start3A_91] : memref<10080x128xf32, #tpu.memory_space<vmem_shared>> -> memref<624x128xf32, #tpu.memory_space<vmem_shared>>
      tpu.enqueue_dma source(%dma_start3A_92 : memref<624x128xf32, #tpu.memory_space<vmem_shared>>) target(%dma_start3A_90 : memref<624x128xf32, #tpu.memory_space<hbm>>) target_semaphore(%run_scoped3A_87 : memref<!tpu.dma_semaphore, #tpu.memory_space<semaphore_mem>>)
      %dma_wait3A_93 = arith.constant 0 : i32
      %dma_wait3A_94 = tpu.memref_slice %arg7[%arg0, %multiple_of3A, %dma_wait3A_93] : memref<2x10080x128xf32, #tpu.memory_space<hbm>> -> memref<1x624x128xf32, #tpu.memory_space<hbm>>
      %dma_wait3A_95 = tpu.memref_squeeze %dma_wait3A_94 : memref<1x624x128xf32, #tpu.memory_space<hbm>> -> memref<624x128xf32, #tpu.memory_space<hbm>>
      %dma_wait3A_96 = arith.constant 0 : i32
      %dma_wait3A_97 = tpu.memref_slice %arg8[%multiple_of3A, %dma_wait3A_96] : memref<10080x128xf32, #tpu.memory_space<vmem_shared>> -> memref<624x128xf32, #tpu.memory_space<vmem_shared>>
      tpu.wait_dma2 semaphore(%run_scoped3A_87 : memref<!tpu.dma_semaphore, #tpu.memory_space<semaphore_mem>>) src(%dma_wait3A_97 : memref<624x128xf32, #tpu.memory_space<vmem_shared>>) dst(%dma_wait3A_95 : memref<624x128xf32, #tpu.memory_space<hbm>>)
      tpu.yield
    }) : () -> ()
    %eq3A_82 = arith.constant 15 : i32
    %eq3A_83 = arith.cmpi eq, %arg1, %eq3A_82 : i32
    %convert_element_type3A_84 = arith.extui %eq3A_83 : i1 to i32
    %cond3A_85 = arith.constant 0 : i32
    %cond3A_86 = arith.cmpi ne, %convert_element_type3A_84, %cond3A_85 : i32
    scf.if %cond3A_86 {
      %multiple_of3A_87 = arith.constant 9984 : i32
      %multiple_of3A_88 = tpu.assume_multiple %multiple_of3A_87, 8 : i32
      "tpu.region"() ({
        %run_scoped3A_89 = tpu.sem_alloc : memref<!tpu.dma_semaphore, #tpu.memory_space<semaphore_mem>>
        %dma_start3A_90 = arith.constant 0 : i32
        %dma_start3A_91 = tpu.memref_slice %arg7[%arg0, %multiple_of3A_88, %dma_start3A_90] : memref<2x10080x128xf32, #tpu.memory_space<hbm>> -> memref<1x96x128xf32, #tpu.memory_space<hbm>>
        %dma_start3A_92 = tpu.memref_squeeze %dma_start3A_91 : memref<1x96x128xf32, #tpu.memory_space<hbm>> -> memref<96x128xf32, #tpu.memory_space<hbm>>
        %dma_start3A_93 = arith.constant 0 : i32
        %dma_start3A_94 = tpu.memref_slice %arg8[%multiple_of3A_88, %dma_start3A_93] : memref<10080x128xf32, #tpu.memory_space<vmem_shared>> -> memref<96x128xf32, #tpu.memory_space<vmem_shared>>
        tpu.enqueue_dma source(%dma_start3A_94 : memref<96x128xf32, #tpu.memory_space<vmem_shared>>) target(%dma_start3A_92 : memref<96x128xf32, #tpu.memory_space<hbm>>) target_semaphore(%run_scoped3A_89 : memref<!tpu.dma_semaphore, #tpu.memory_space<semaphore_mem>>)
        %dma_wait3A_95 = arith.constant 0 : i32
        %dma_wait3A_96 = tpu.memref_slice %arg7[%arg0, %multiple_of3A_88, %dma_wait3A_95] : memref<2x10080x128xf32, #tpu.memory_space<hbm>> -> memref<1x96x128xf32, #tpu.memory_space<hbm>>
        %dma_wait3A_97 = tpu.memref_squeeze %dma_wait3A_96 : memref<1x96x128xf32, #tpu.memory_space<hbm>> -> memref<96x128xf32, #tpu.memory_space<hbm>>
        %dma_wait3A_98 = arith.constant 0 : i32
        %dma_wait3A_99 = tpu.memref_slice %arg8[%multiple_of3A_88, %dma_wait3A_98] : memref<10080x128xf32, #tpu.memory_space<vmem_shared>> -> memref<96x128xf32, #tpu.memory_space<vmem_shared>>
        tpu.wait_dma2 semaphore(%run_scoped3A_89 : memref<!tpu.dma_semaphore, #tpu.memory_space<semaphore_mem>>) src(%dma_wait3A_99 : memref<96x128xf32, #tpu.memory_space<vmem_shared>>) dst(%dma_wait3A_97 : memref<96x128xf32, #tpu.memory_space<hbm>>)
        tpu.yield
      }) : () -> ()
    } else {
    }
    return
  }
}

module attributes {stable_mosaic.version = 14 : i64} {
  func.func @_layer1_body(%arg0: i32, %arg1: memref<2x2000x128xf32, #tpu.memory_space<vmem>>, %arg2: memref<2000x128xf32, #tpu.memory_space<vmem>>, %arg3: memref<2000x1xf32, #tpu.memory_space<vmem>>, %arg4: memref<128x128xf32, #tpu.memory_space<vmem>>, %arg5: memref<1x128xf32, #tpu.memory_space<vmem>>, %arg6: memref<128x64xf32, #tpu.memory_space<vmem>>, %arg7: memref<2000x64xf32, #tpu.memory_space<vmem>>) attributes {dimension_semantics = [#tpu.dimension_semantics<arbitrary>], iteration_bounds = array<i64: 5>, scalar_prefetch = 0 : i64, scratch_operands = 0 : i64, tpu.core_type = #tpu.core_type<tc>, window_params = [{transform_indices = @transform_0, window_bounds = array<i64: 2, 2000, 128>}, {transform_indices = @transform_1, window_bounds = array<i64: 2000, 128>}, {transform_indices = @transform_2, window_bounds = array<i64: 2000, 1>}, {pipeline_mode = #tpu.pipeline_mode<synchronous>, transform_indices = @transform_3, window_bounds = array<i64: 128, 128>}, {pipeline_mode = #tpu.pipeline_mode<synchronous>, transform_indices = @transform_4, window_bounds = array<i64: 1, 128>}, {pipeline_mode = #tpu.pipeline_mode<synchronous>, transform_indices = @transform_5, window_bounds = array<i64: 128, 64>}, {transform_indices = @transform_6, window_bounds = array<i64: 2000, 64>}]} {
    %get3A = arith.constant 0 : index
    %get3A_0 = arith.constant 0 : index
    %get3A_1 = arith.constant 0 : index
    %get3A_2 = vector.load %arg1[%get3A, %get3A_0, %get3A_1] : memref<2x2000x128xf32, #tpu.memory_space<vmem>>, vector<1x2000x128xf32>
    %get3A_3 = vector.shape_cast %get3A_2 : vector<1x2000x128xf32> to vector<2000x128xf32>
    %get3A_4 = arith.constant 1 : index
    %get3A_5 = arith.constant 0 : index
    %get3A_6 = arith.constant 0 : index
    %get3A_7 = vector.load %arg1[%get3A_4, %get3A_5, %get3A_6] : memref<2x2000x128xf32, #tpu.memory_space<vmem>>, vector<1x2000x128xf32>
    %get3A_8 = vector.shape_cast %get3A_7 : vector<1x2000x128xf32> to vector<2000x128xf32>
    %add3A = arith.addf %get3A_3, %get3A_8 : vector<2000x128xf32>
    %get3A_9 = arith.constant 0 : index
    %get3A_10 = arith.constant 0 : index
    %get3A_11 = vector.load %arg2[%get3A_9, %get3A_10] : memref<2000x128xf32, #tpu.memory_space<vmem>>, vector<2000x128xf32>
    %add3A_12 = arith.addf %add3A, %get3A_11 : vector<2000x128xf32>
    %get3A_13 = arith.constant 0 : index
    %get3A_14 = arith.constant 0 : index
    %get3A_15 = vector.load %arg3[%get3A_13, %get3A_14] : memref<2000x1xf32, #tpu.memory_space<vmem>>, vector<2000x1xf32>
    %add3A_16 = arith.constant 1.000000e+00 : f32
    %add3A_17 = vector.broadcast %add3A_16 : f32 to vector<2000x1xf32>
    %add3A_18 = arith.addf %get3A_15, %add3A_17 : vector<2000x1xf32>
    %div3A = vector.broadcast %add3A_18 : vector<2000x1xf32> to vector<2000x128xf32>
    %div3A_19 = arith.divf %add3A_12, %div3A : vector<2000x128xf32>
    %get3A_20 = arith.constant 0 : index
    %get3A_21 = arith.constant 0 : index
    %get3A_22 = vector.load %arg4[%get3A_20, %get3A_21] : memref<128x128xf32, #tpu.memory_space<vmem>>, vector<128x128xf32>
    %dot_general3A = arith.constant dense<0.000000e+00> : vector<2000x128xf32>
    %dot_general3A_23 = tpu.matmul %div3A_19, %get3A_22, %dot_general3A {dimension_numbers = #tpu.dot_dimension_numbers<[1], [0], [0], [1], [0, 0, 1, 1], [], []>, transpose_lhs_hint = false} : vector<2000x128xf32>, vector<128x128xf32>, vector<2000x128xf32> -> vector<2000x128xf32>
    %get3A_24 = arith.constant 0 : index
    %get3A_25 = arith.constant 0 : index
    %get3A_26 = vector.load %arg5[%get3A_24, %get3A_25] : memref<1x128xf32, #tpu.memory_space<vmem>>, vector<1x128xf32>
    %add3A_27 = vector.broadcast %get3A_26 : vector<1x128xf32> to vector<2000x128xf32>
    %add3A_28 = arith.addf %dot_general3A_23, %add3A_27 : vector<2000x128xf32>
    %max3A = arith.constant 0.000000e+00 : f32
    %max3A_29 = vector.broadcast %max3A : f32 to vector<2000x128xf32>
    %max3A_30 = arith.maximumf %add3A_28, %max3A_29 : vector<2000x128xf32>
    %get3A_31 = arith.constant 0 : index
    %get3A_32 = arith.constant 0 : index
    %get3A_33 = vector.load %arg6[%get3A_31, %get3A_32] : memref<128x64xf32, #tpu.memory_space<vmem>>, vector<128x64xf32>
    %dot_general3A_34 = arith.constant dense<0.000000e+00> : vector<2000x64xf32>
    %dot_general3A_35 = tpu.matmul %max3A_30, %get3A_33, %dot_general3A_34 {dimension_numbers = #tpu.dot_dimension_numbers<[1], [0], [0], [1], [0, 0, 1, 1], [], []>, transpose_lhs_hint = false} : vector<2000x128xf32>, vector<128x64xf32>, vector<2000x64xf32> -> vector<2000x64xf32>
    %swap3A = arith.constant 0 : index
    %swap3A_36 = arith.constant 0 : index
    %swap3A_37 = vector.load %arg7[%swap3A, %swap3A_36] : memref<2000x64xf32, #tpu.memory_space<vmem>>, vector<2000x64xf32>
    tpu.vector_store %arg7[%swap3A, %swap3A_36], %dot_general3A_35 {strides = array<i32>} : memref<2000x64xf32, #tpu.memory_space<vmem>>, vector<2000x64xf32>,
    return
  }
  func.func @transform_0(%arg0: i32) -> (i32, i32, i32) {
    %c0_i32 = arith.constant 0 : i32
    %c0_i32_0 = arith.constant 0 : i32
    %c0_i32_1 = arith.constant 0 : i32
    return %c0_i32, %arg0, %c0_i32_0 : i32, i32, i32
  }
  func.func @transform_1(%arg0: i32) -> (i32, i32) {
    %c0_i32 = arith.constant 0 : i32
    %c0_i32_0 = arith.constant 0 : i32
    return %arg0, %c0_i32 : i32, i32
  }
  func.func @transform_2(%arg0: i32) -> (i32, i32) {
    %c0_i32 = arith.constant 0 : i32
    %c0_i32_0 = arith.constant 0 : i32
    return %arg0, %c0_i32 : i32, i32
  }
  func.func @transform_3(%arg0: i32) -> (i32, i32) {
    %c0_i32 = arith.constant 0 : i32
    %c0_i32_0 = arith.constant 0 : i32
    %c0_i32_1 = arith.constant 0 : i32
    return %c0_i32, %c0_i32_0 : i32, i32
  }
  func.func @transform_4(%arg0: i32) -> (i32, i32) {
    %c0_i32 = arith.constant 0 : i32
    %c0_i32_0 = arith.constant 0 : i32
    %c0_i32_1 = arith.constant 0 : i32
    return %c0_i32, %c0_i32_0 : i32, i32
  }
  func.func @transform_5(%arg0: i32) -> (i32, i32) {
    %c0_i32 = arith.constant 0 : i32
    %c0_i32_0 = arith.constant 0 : i32
    %c0_i32_1 = arith.constant 0 : i32
    return %c0_i32, %c0_i32_0 : i32, i32
  }
  func.func @transform_6(%arg0: i32) -> (i32, i32) {
    %c0_i32 = arith.constant 0 : i32
    %c0_i32_0 = arith.constant 0 : i32
    return %arg0, %c0_i32 : i32, i32
  }
}

module attributes {stable_mosaic.version = 14 : i64} {
  func.func @_cls_body(%arg0: i32, %arg1: memref<2x2000x64xf32, #tpu.memory_space<vmem>>, %arg2: memref<2000x64xf32, #tpu.memory_space<vmem>>, %arg3: memref<2000x1xf32, #tpu.memory_space<vmem>>, %arg4: memref<1x64xf32, #tpu.memory_space<vmem>>, %arg5: memref<64x16xf32, #tpu.memory_space<vmem>>, %arg6: memref<1x16xf32, #tpu.memory_space<vmem>>, %arg7: memref<2000x16xf32, #tpu.memory_space<vmem>>) attributes {dimension_semantics = [#tpu.dimension_semantics<arbitrary>], iteration_bounds = array<i64: 5>, scalar_prefetch = 0 : i64, scratch_operands = 0 : i64, tpu.core_type = #tpu.core_type<tc>, window_params = [{transform_indices = @transform_0, window_bounds = array<i64: 2, 2000, 64>}, {transform_indices = @transform_1, window_bounds = array<i64: 2000, 64>}, {transform_indices = @transform_2, window_bounds = array<i64: 2000, 1>}, {pipeline_mode = #tpu.pipeline_mode<synchronous>, transform_indices = @transform_3, window_bounds = array<i64: 1, 64>}, {pipeline_mode = #tpu.pipeline_mode<synchronous>, transform_indices = @transform_4, window_bounds = array<i64: 64, 16>}, {pipeline_mode = #tpu.pipeline_mode<synchronous>, transform_indices = @transform_5, window_bounds = array<i64: 1, 16>}, {transform_indices = @transform_6, window_bounds = array<i64: 2000, 16>}]} {
    %get3A = arith.constant 0 : index
    %get3A_0 = arith.constant 0 : index
    %get3A_1 = arith.constant 0 : index
    %get3A_2 = vector.load %arg1[%get3A, %get3A_0, %get3A_1] : memref<2x2000x64xf32, #tpu.memory_space<vmem>>, vector<1x2000x64xf32>
    %get3A_3 = vector.shape_cast %get3A_2 : vector<1x2000x64xf32> to vector<2000x64xf32>
    %get3A_4 = arith.constant 1 : index
    %get3A_5 = arith.constant 0 : index
    %get3A_6 = arith.constant 0 : index
    %get3A_7 = vector.load %arg1[%get3A_4, %get3A_5, %get3A_6] : memref<2x2000x64xf32, #tpu.memory_space<vmem>>, vector<1x2000x64xf32>
    %get3A_8 = vector.shape_cast %get3A_7 : vector<1x2000x64xf32> to vector<2000x64xf32>
    %add3A = arith.addf %get3A_3, %get3A_8 : vector<2000x64xf32>
    %get3A_9 = arith.constant 0 : index
    %get3A_10 = arith.constant 0 : index
    %get3A_11 = vector.load %arg2[%get3A_9, %get3A_10] : memref<2000x64xf32, #tpu.memory_space<vmem>>, vector<2000x64xf32>
    %add3A_12 = arith.addf %add3A, %get3A_11 : vector<2000x64xf32>
    %get3A_13 = arith.constant 0 : index
    %get3A_14 = arith.constant 0 : index
    %get3A_15 = vector.load %arg3[%get3A_13, %get3A_14] : memref<2000x1xf32, #tpu.memory_space<vmem>>, vector<2000x1xf32>
    %add3A_16 = arith.constant 1.000000e+00 : f32
    %add3A_17 = vector.broadcast %add3A_16 : f32 to vector<2000x1xf32>
    %add3A_18 = arith.addf %get3A_15, %add3A_17 : vector<2000x1xf32>
    %div3A = vector.broadcast %add3A_18 : vector<2000x1xf32> to vector<2000x64xf32>
    %div3A_19 = arith.divf %add3A_12, %div3A : vector<2000x64xf32>
    %get3A_20 = arith.constant 0 : index
    %get3A_21 = arith.constant 0 : index
    %get3A_22 = vector.load %arg4[%get3A_20, %get3A_21] : memref<1x64xf32, #tpu.memory_space<vmem>>, vector<1x64xf32>
    %add3A_23 = vector.broadcast %get3A_22 : vector<1x64xf32> to vector<2000x64xf32>
    %add3A_24 = arith.addf %div3A_19, %add3A_23 : vector<2000x64xf32>
    %max3A = arith.constant 0.000000e+00 : f32
    %max3A_25 = vector.broadcast %max3A : f32 to vector<2000x64xf32>
    %max3A_26 = arith.maximumf %add3A_24, %max3A_25 : vector<2000x64xf32>
    %get3A_27 = arith.constant 0 : index
    %get3A_28 = arith.constant 0 : index
    %get3A_29 = vector.load %arg5[%get3A_27, %get3A_28] : memref<64x16xf32, #tpu.memory_space<vmem>>, vector<64x16xf32>
    %dot_general3A = arith.constant dense<0.000000e+00> : vector<2000x16xf32>
    %dot_general3A_30 = tpu.matmul %max3A_26, %get3A_29, %dot_general3A {dimension_numbers = #tpu.dot_dimension_numbers<[1], [0], [0], [1], [0, 0, 1, 1], [], []>, transpose_lhs_hint = false} : vector<2000x64xf32>, vector<64x16xf32>, vector<2000x16xf32> -> vector<2000x16xf32>
    %get3A_31 = arith.constant 0 : index
    %get3A_32 = arith.constant 0 : index
    %get3A_33 = vector.load %arg6[%get3A_31, %get3A_32] : memref<1x16xf32, #tpu.memory_space<vmem>>, vector<1x16xf32>
    %add3A_34 = vector.broadcast %get3A_33 : vector<1x16xf32> to vector<2000x16xf32>
    %add3A_35 = arith.addf %dot_general3A_30, %add3A_34 : vector<2000x16xf32>
    %reduce_max3A = arith.constant dense<0xFF800000> : vector<2000xf32>
    %reduce_max3A_36 = vector.multi_reduction <maximumf>, %add3A_35, %reduce_max3A [1] : vector<2000x16xf32> to vector<2000xf32>
    %broadcast_in_dim3A = vector.shape_cast %reduce_max3A_36 : vector<2000xf32> to vector<2000x1xf32>
    %sub3A = vector.broadcast %broadcast_in_dim3A : vector<2000x1xf32> to vector<2000x16xf32>
    %sub3A_37 = arith.subf %add3A_35, %sub3A : vector<2000x16xf32>
    %exp3A = math.exp %sub3A_37 : vector<2000x16xf32>
    %reduce_sum3A = arith.constant dense<0.000000e+00> : vector<2000xf32>
    %reduce_sum3A_38 = vector.multi_reduction <add>, %exp3A, %reduce_sum3A [1] : vector<2000x16xf32> to vector<2000xf32>
    %broadcast_in_dim3A_39 = vector.shape_cast %reduce_sum3A_38 : vector<2000xf32> to vector<2000x1xf32>
    %div3A_40 = vector.broadcast %broadcast_in_dim3A_39 : vector<2000x1xf32> to vector<2000x16xf32>
    %div3A_41 = arith.divf %exp3A, %div3A_40 : vector<2000x16xf32>
    %swap3A = arith.constant 0 : index
    %swap3A_42 = arith.constant 0 : index
    %swap3A_43 = vector.load %arg7[%swap3A, %swap3A_42] : memref<2000x16xf32, #tpu.memory_space<vmem>>, vector<2000x16xf32>
    tpu.vector_store %arg7[%swap3A, %swap3A_42], %div3A_41 {strides = array<i32>} : memref<2000x16xf32, #tpu.memory_space<vmem>>, vector<2000x16xf32>,
    return
  }
  func.func @transform_0(%arg0: i32) -> (i32, i32, i32) {
    %c0_i32 = arith.constant 0 : i32
    %c0_i32_0 = arith.constant 0 : i32
    %c0_i32_1 = arith.constant 0 : i32
    return %c0_i32, %arg0, %c0_i32_0 : i32, i32, i32
  }
  func.func @transform_1(%arg0: i32) -> (i32, i32) {
    %c0_i32 = arith.constant 0 : i32
    %c0_i32_0 = arith.constant 0 : i32
    return %arg0, %c0_i32 : i32, i32
  }
  func.func @transform_2(%arg0: i32) -> (i32, i32) {
    %c0_i32 = arith.constant 0 : i32
    %c0_i32_0 = arith.constant 0 : i32
    return %arg0, %c0_i32 : i32, i32
  }
  func.func @transform_3(%arg0: i32) -> (i32, i32) {
    %c0_i32 = arith.constant 0 : i32
    %c0_i32_0 = arith.constant 0 : i32
    %c0_i32_1 = arith.constant 0 : i32
    return %c0_i32, %c0_i32_0 : i32, i32
  }
  func.func @transform_4(%arg0: i32) -> (i32, i32) {
    %c0_i32 = arith.constant 0 : i32
    %c0_i32_0 = arith.constant 0 : i32
    %c0_i32_1 = arith.constant 0 : i32
    return %c0_i32, %c0_i32_0 : i32, i32
  }
  func.func @transform_5(%arg0: i32) -> (i32, i32) {
    %c0_i32 = arith.constant 0 : i32
    %c0_i32_0 = arith.constant 0 : i32
    %c0_i32_1 = arith.constant 0 : i32
    return %c0_i32, %c0_i32_0 : i32, i32
  }
  func.func @transform_6(%arg0: i32) -> (i32, i32) {
    %c0_i32 = arith.constant 0 : i32
    %c0_i32_0 = arith.constant 0 : i32
    return %arg0, %c0_i32 : i32, i32
  }
}

module attributes {stable_mosaic.version = 14 : i64} {
  func.func @_dec_body(%arg0: i32, %arg1: memref<200x16xf32, #tpu.memory_space<vmem>>, %arg2: memref<10000x16xf32, #tpu.memory_space<vmem>>, %arg3: memref<200x10000xf32, #tpu.memory_space<vmem>>) attributes {dimension_semantics = [#tpu.dimension_semantics<arbitrary>], iteration_bounds = array<i64: 50>, scalar_prefetch = 0 : i64, scratch_operands = 0 : i64, tpu.core_type = #tpu.core_type<tc>, window_params = [{transform_indices = @transform_0, window_bounds = array<i64: 200, 16>}, {pipeline_mode = #tpu.pipeline_mode<synchronous>, transform_indices = @transform_1, window_bounds = array<i64: 10000, 16>}, {transform_indices = @transform_2, window_bounds = array<i64: 200, 10000>}]} {
    %get3A = arith.constant 0 : index
    %get3A_0 = arith.constant 0 : index
    %get3A_1 = vector.load %arg1[%get3A, %get3A_0] : memref<200x16xf32, #tpu.memory_space<vmem>>, vector<200x16xf32>
    %get3A_2 = arith.constant 0 : index
    %get3A_3 = arith.constant 0 : index
    %get3A_4 = vector.load %arg2[%get3A_2, %get3A_3] : memref<10000x16xf32, #tpu.memory_space<vmem>>, vector<10000x16xf32>
    %dot_general3A = arith.constant dense<0.000000e+00> : vector<200x10000xf32>
    %dot_general3A_5 = tpu.matmul %get3A_1, %get3A_4, %dot_general3A {dimension_numbers = #tpu.dot_dimension_numbers<[1], [1], [0], [0], [0, 0, 1, 0], [], []>, transpose_lhs_hint = false} : vector<200x16xf32>, vector<10000x16xf32>, vector<200x10000xf32> -> vector<200x10000xf32>
    %swap3A = arith.constant 0 : index
    %swap3A_6 = arith.constant 0 : index
    %swap3A_7 = vector.load %arg3[%swap3A, %swap3A_6] : memref<200x10000xf32, #tpu.memory_space<vmem>>, vector<200x10000xf32>
    tpu.vector_store %arg3[%swap3A, %swap3A_6], %dot_general3A_5 {strides = array<i32>} : memref<200x10000xf32, #tpu.memory_space<vmem>>, vector<200x10000xf32>,
    return
  }
  func.func @transform_0(%arg0: i32) -> (i32, i32) {
    %c0_i32 = arith.constant 0 : i32
    %c0_i32_0 = arith.constant 0 : i32
    return %arg0, %c0_i32 : i32, i32
  }
  func.func @transform_1(%arg0: i32) -> (i32, i32) {
    %c0_i32 = arith.constant 0 : i32
    %c0_i32_0 = arith.constant 0 : i32
    %c0_i32_1 = arith.constant 0 : i32
    return %c0_i32, %c0_i32_0 : i32, i32
  }
  func.func @transform_2(%arg0: i32) -> (i32, i32) {
    %c0_i32 = arith.constant 0 : i32
    %c0_i32_0 = arith.constant 0 : i32
    return %arg0, %c0_i32 : i32, i32
  }
}

</mosaic_0001>

<sc_bundles>
// kernel: kernel.10.cloned.1.call-start
scs
__scs_entry_jumppad:
0x0: {  	(pc) =	sbr.rel $0x88, $3  }
0x1: {  	(tag) =	ssettag $0x0;
	lr =	simm.s32 $0x1  }
0x2: {  	[smem:$0x3F99] =	sst lr;
	_ =	strace $0xD0000000  }
0x3: {  	_ = 	snop  }
0x4: {  	_ = 	snop  }
0x5: {  	_ = 	snop  }
0x6: {  	_ = 	snop  }
0x7: {  	_ = 	snop  }
__scs_overlays_trampoline_lowered:
0x8: {  	[smem:$0x3FA8] =	sst s0  }
0x9: {  	[smem:$0x3FA9] =	sst s1  }
0xa: {  	[smem:$0x3FAA] =	sst s2  }
0xb: {  	[smem:$0x3FAB] =	sst s3  }
0xc: {  	[smem:$0x3FAC] =	sst s4  }
0xd: {  	[smem:$0x3FAD] =	sst s5  }
0xe: {  	[smem:$0x3FAE] =	sst s6  }
0xf: {  	[smem:$0x3FAF] =	sst s7  }
0x10: {  	[smem:$0x3FB0] =	sst s8  }
0x11: {  	[smem:$0x3FB1] =	sst s9;
	s0 =	simm.s32 @!p0 $0x0  }
0x12: {  	s1 =	sld [smem:$0x3F97];
	s0 =	simm.s32 @p0 $0x1  }
0x13: {  	[smem:$0x3FB2] =	sst s0;
	s0 =	simm.s32 @!p1 $0x0  }
0x14: {  	s2 =	sld [smem:$0x3F96];
	s0 =	simm.s32 @p1 $0x1  }
0x15: {  	[smem:$0x3FB3] =	sst s0;
	s0 =	simm.s32 @!p2 $0x0  }
0x16: {  	s3 =	sld [smem:$0x3FDB];
	s0 =	simm.s32 @p2 $0x1  }
0x17: {  	s4 =	simm.s32 $0x1BF5;
	[smem:$0x3FB5] =	sst s0  }
0x18: {  	s0 =	sld [smem:$0x3F98];
	_ =	swait.ge [sflag:s4], $0x0  }
0x19: {  	s7 =	sld [smem:$0x3F99]  }
0x1a: {  	s8 =	sadd.s32 $0xFFFFE003, lr  }
0x1b: {  	s9 =	sadd.s32 $0xFFFFFEF7, lr;
	s5 =	simm.s32 $0xFFFFFFFF;
	p2 =	slt.u32 s8, $0xFFFFF086  }
0x1c: {  	p1 =	slt.u32 s9, $0xF7A;
	s5 =	simm.s32 @!p2 $0x0  }
0x1d: {  	s5 =	simm.s32 @p1 $0x1;
	p0 =	seq.s32 s7, s2  }
0x1e: {  	s7 =	smul.u32 @!p0 $0xF7A, s2;
	p2 =	seq.s32 @!p0 s5, $0x0  }
0x1f: {  	s9 =	smul.u32 $0xF7A, s1;
	s8 =	simm.s32 @!p0 $0x1BF5;
	p2 =	por !p2, p0  }
0x20: {  	[sflag:s8] =	ssyncset.s32 @!p0 $0xFFFFF086;
	s6 =	sadd.s32 @!p0 s3, s7;
	s7 =	simm.s32 @!p0 $0x108  }
0x21: {  	s3 =	sadd.s32 s3, s9;
	s6 =	sadd.s32 @!p0 $0x88, s6;
	s7 =	simm.s32 @p2 $0x1082  }
0x22: {  	[simem:s7], [sflag:s8] =	dma.local @!p0 [hbm:s6], $0xF7A  }
0x23: {  	s9 =	sor.u32 $0xD0000000, s2;
	s6 =	simm.s32 $0x108;
	_ =	swait.ge @!p0 [sflag:s8], $0x0  }
0x24: {  	s3 =	sadd.s32 $0x88, s3;
	s6 =	simm.s32 @!p1 $0x1082;
	[sflag:s4] =	ssyncset.s32 $0xFFFFF086  }
0x25: {  	[simem:s6], [sflag:s4] =	dma.local [hbm:s3], $0xF7A  }
0x26: {  	[smem:$0x3F99] =	sst s1;
	(tag) =	ssettag s2;
	_ =	strace s9  }
0x27: {  	s1 =	sld [smem:$0x3FA9]  }
0x28: {  	s2 =	sld [smem:$0x3FAA]  }
0x29: {  	s4 =	sld [smem:$0x3FAC]  }
0x2a: {  	p0 =	seq.s32 s5, $0x0;
	s5 =	sld [smem:$0x3FAD]  }
0x2b: {  	s6 =	sld [smem:$0x3FAE]  }
0x2c: {  	s7 =	sld [smem:$0x3FAF]  }
0x2d: {  	s3 =	simm.s32 $0x108;
	s8 =	sld [smem:$0x3FB0]  }
0x2e: {  	s3 =	simm.s32 @!p0 $0x1082;
	s9 =	sld [smem:$0x3FB1]  }
0x2f: {  	lr =	sadd.s32 s0, s3;
	s0 =	sld [smem:$0x3FA8]  }
0x30: {  	s3 =	sld [smem:$0x3FAB]  }
0x31: {  	[smem:$0x3FB4] =	sst s10  }
0x32: {  	s10 =	sld [smem:$0x3FB2];
	_ =	sdelay $0x3  }
0x33: {  	p0 =	seq.s32 s10, $0x1;
	s10 =	sld [smem:$0x3FB4];
	_ =	sdelay $0x3  }
0x34: {  	[smem:$0x3FB4] =	sst s10  }
0x35: {  	s10 =	sld [smem:$0x3FB3];
	_ =	sdelay $0x3  }
0x36: {  	p1 =	seq.s32 s10, $0x1;
	s10 =	sld [smem:$0x3FB4];
	_ =	sdelay $0x3  }
0x37: {  	[smem:$0x3FB4] =	sst s10  }
0x38: {  	s10 =	sld [smem:$0x3FB5]  }
0x39: {  	_ = 	snop;
	(pc) =	sbr.ind lr, $3  }
0x3a: {  	_ = 	snop  }
0x3b: {  	_ = 	snop  }
0x3c: {  	p2 =	seq.s32 s10, $0x1;
	s10 =	sld [smem:$0x3FB4]  }
0x3d: {  	_ =	shalt  }
0x3e: {  	_ =	shalt  }
0x3f: {  	_ =	shalt  }
0x40: {  	_ =	shalt  }
0x41: {  	_ =	shalt  }
0x42: {  	_ =	shalt  }
0x43: {  	_ =	shalt  }
0x44: {  	_ =	shalt  }
0x45: {  	_ =	shalt  }
0x46: {  	_ =	shalt  }
0x47: {  	_ =	shalt  }
0x48: {  	_ =	shalt  }
0x49: {  	_ =	shalt  }
0x4a: {  	_ =	shalt  }
0x4b: {  	_ =	shalt  }
0x4c: {  	_ =	shalt  }
0x4d: {  	_ =	shalt  }
0x4e: {  	_ =	shalt  }
0x4f: {  	_ =	shalt  }
0x50: {  	_ =	shalt  }
0x51: {  	_ =	shalt  }
0x52: {  	_ =	shalt  }
0x53: {  	_ =	shalt  }
0x54: {  	_ =	shalt  }
0x55: {  	_ =	shalt  }
0x56: {  	_ =	shalt  }
0x57: {  	_ =	shalt  }
0x58: {  	_ =	shalt  }
0x59: {  	_ =	shalt  }
0x5a: {  	_ =	shalt  }
0x5b: {  	_ =	shalt  }
0x5c: {  	_ =	shalt  }
0x5d: {  	_ =	shalt  }
0x5e: {  	_ =	shalt  }
0x5f: {  	_ =	shalt  }
0x60: {  	_ =	shalt  }
0x61: {  	_ =	shalt  }
0x62: {  	_ =	shalt  }
0x63: {  	_ =	shalt  }
0x64: {  	_ =	shalt  }
0x65: {  	_ =	shalt  }
0x66: {  	_ =	shalt  }
0x67: {  	_ =	shalt  }
0x68: {  	_ =	shalt  }
0x69: {  	_ =	shalt  }
0x6a: {  	_ =	shalt  }
0x6b: {  	_ =	shalt  }
0x6c: {  	_ =	shalt  }
0x6d: {  	_ =	shalt  }
0x6e: {  	_ =	shalt  }
0x6f: {  	_ =	shalt  }
0x70: {  	_ =	shalt  }
0x71: {  	_ =	shalt  }
0x72: {  	_ =	shalt  }
0x73: {  	_ =	shalt  }
0x74: {  	_ =	shalt  }
0x75: {  	_ =	shalt  }
0x76: {  	_ =	shalt  }
0x77: {  	_ =	shalt  }
0x78: {  	_ =	shalt  }
0x79: {  	_ =	shalt  }
0x7a: {  	_ =	shalt  }
0x7b: {  	_ =	shalt  }
0x7c: {  	_ =	shalt  }
0x7d: {  	_ =	shalt  }
0x7e: {  	_ =	shalt  }
0x7f: {  	_ =	shalt  }
0x80: {  	_ =	shalt  }
0x81: {  	_ =	shalt  }
0x82: {  	_ =	shalt  }
0x83: {  	_ =	shalt  }
0x84: {  	_ =	shalt  }
0x85: {  	_ =	shalt  }
0x86: {  	_ =	shalt  }
0x87: {  	_ =	shalt  }
.Lfunc_end0:
.L_simem_size_0:
called_computation.1_lowered:
.L_overlay_start_0:
0x88: {  	s2 =	sld [smem:$0x3FD9]  }
0x89: {  	s3 =	sld [smem:$0x3FFE];
	_ =	sdelay $0x1  }
0x8a: {  	s1 =	srdreg.scid  }
0x8b: {  	s0 =	sand.u32 $0x1, s1  }
0x8c: {  	s14 =	sshll.u32 s0, $0xA;
	s2 =	sadd.s32 s3, s2  }
0x8d: {  	s2 =	sadd.s32 s2, s14  }
0x8e: {  	[smem:$0x3FC0] =	sst s2  }
0x8f: {  	_ = 	snop  }
0x90: {  	s2 =	sld [smem:$0x3FD0];
	_ =	sdelay $0x2  }
0x91: {  	s15 =	simm.s32 $0xA;
	s4 =	simm.s32 $0x10  }
0x92: {  	[smem:s4], [sflag:s15] =	dma.local [hbm:s2], $0x1  }
0x93: {  	_ =	swait.eq [sflag:s15], $0x1  }
0x94: {  	[sflag:s15] =	ssyncset.done $0x0  }
0x95: {  	[sflag:s15] =	ssyncadd.s32 $0xFFFFFFFF  }
0x96: {  	s16 =	sld [smem:$0x11];
	(tm) =	ssettm $0x1  }
0x97: {  	s17 =	sld [smem:$0x3FFB];
	_ =	sdelay $0x3  }
0x98: {  	_ =	strace s17  }
0x99: {  	s3 =	sld [smem:$0x3FFC];
	_ =	sdelay $0x3  }
0x9a: {  	_ =	strace s3  }
0x9b: {  	s3 =	sld [smem:$0x3FFD];
	_ =	sdelay $0x3  }
0x9c: {  	_ =	strace s3  }
0x9d: {  	_ =	strace $0x8FFFFFFF  }
0x9e: {  	s18 =	sld [smem:$0x3FDB];
	_ =	sdelay $0x1  }
0x9f: {  	s19 =	simm.s32 $_scs_section_size  }
0xa0: {  	s5 =	simm.s32 $_size__tile_overlayer_lowered;
	s6 =	simm.s32 $_tile_overlayer_lowered  }
0xa1: {  	s22 =	simm.s32 $0x1BFF;
	s21 =	sshll.u32 s6, $0x1;
	s3 =	sadd.s32 s19, s18  }
0xa2: {  	s7 =	simm.s32 $0x0;
	s20 =	sshll.u32 s5, $0x1;
	s5 =	sadd.s32 s21, s3  }
0xa3: {  	[timem:s7], [sflag:s22] =	dma.local [hbm:s5], s20  }
0xa4: {  	_ =	swait.ge [sflag:s22], s20  }
0xa5: {  	s4 =	ssub.s32 $0x0, s20;
	[sflag:s22] =	ssyncset.done $0x0  }
0xa6: {  	[sflag:s22] =	ssyncadd.s32 s4;
	_ =	sdelay $0x1  }
0xa7: {  	s23 =	simm.s32 $0x1B8B  }
0xa8: {  	_ =	swait.ge [sflag:s23], $0x1  }
0xa9: {  	[sflag:s23] =	ssyncset.done $0x0  }
0xaa: {  	s25 =	simm.s32 $0x1B8E;
	s24 =	sld [smem:$0x3FFE];
	[sflag:s23] =	ssyncadd.s32 $0xFFFFFFFF  }
0xab: {  	s26 =	simm.s32 $execute0_lowered;
	[smem:$0x3FD2] =	sst s25  }
0xac: {  	s5 =	sshll.u32 s26, $0x1;
	_ =	strace $0x80000049;
	[dreg:$0x1] =	wrdreg $0xFFFFFFFF  }
0xad: {  	s28 =	simm.s32 $_size_execute0_lowered;
	s3 =	sadd.s32 s3, s5;
	[dreg:$0x0] =	wrdreg $0x0  }
0xae: {  	s5 =	sshll.u32 s28, $0x1;
	[dreg:$0x2] =	wrdreg s3  }
0xaf: {  	[dreg:$0x3] =	wrdreg s5  }
0xb0: {  	[dreg:$0x4] =	wrdreg $0xC0  }
0xb1: {  	_ =	task [dreg:s7], $0x5FFFF  }
0xb2: {  	[dreg:$0x1] =	wrdreg $0xFFFFFFFF  }
0xb3: {  	[dreg:$0x0] =	wrdreg $0x60  }
0xb4: {  	[dreg:$0x2] =	wrdreg s16  }
0xb5: {  	[dreg:$0x3] =	wrdreg s24  }
0xb6: {  	[dreg:$0x4] =	wrdreg $0x0  }
0xb7: {  	[dreg:$0x5] =	wrdreg $0x9  }
0xb8: {  	_ =	task.clear_ibuf [dreg:s7], $0x6FFFF;
	_ =	strace $0x90000049  }
0xb9: {  	s29 =	simm.s32 $0x9;
	_ =	strace $0x8000004B  }
0xba: {  	_ =	swait.ge [sflag:s29], $0x1  }
0xbb: {  	[sflag:s29] =	ssyncadd.s32 $0xFFFFFFFF  }
0xbc: {  	_ =	strace $0x9000004B  }
0xbd: {  	_ =	sfence  }
0xbe: {  	s30 =	sld [smem:$0x0];
	_ =	sdelay $0x2  }
0xbf: {  	s31 =	sshll.u32 s1, $0xD;
	s1 =	sshrl.u32 s1, $0x2  }
0xc0: {  	s3 =	sand.u32 $0x4000, s31;
	s1 =	sadd.s32 s1, s30  }
0xc1: {  	s0 =	sor.u32 s3, s0;
	s1 =	sshll.u32 s1, $0x11  }
0xc2: {  	s0 =	sor.u32 s1, s0  }
0xc3: {  	s0 =	sadd.s32 $0x8F2B, s0  }
0xc4: {  	[sflag:s0] =	ssyncadd.remote.s32 $0x1  }
0xc5: {  	_ =	sfence.sel $0xFFFF  }
0xc6: {  	[dreg:$0x0] =	wrdreg $0xFFFFFFFF;
	(pc) =	sbr.abs _section_cstart, $3  }
0xc7: {  	[dreg:$0x1] =	wrdreg $0xFFFFFFFF  }
0xc8: {  	_ =	task.clear_ibuf [dreg:s7], $0x2FFFF;
	_ =	strace $0x9FFFFFFF  }
0xc9: {  	(tm) =	ssettm $0x7FFFFFFF  }
tec
execute0_lowered:
.L_overlay_start_1:
0x0: {  	(tag) =	ssettag $0x1  }
0x1: {  	s1 =	rddreg [dreg:$0x0];
	s0 =	srdreg.scid  }
0x2: {  	s19 =	stileid.u32;
	s2 =	rddreg [dreg:$0x1]  }
0x3: {  	s3 =	rddreg [dreg:$0x2];
	s28 =	simm.s32 $0x1;
	s29 =	simm.s32 $0x3  }
0x4: {  	s30 =	simm.s32 $0x2;
	s31 =	simm.s32 $0x4;
	s0 =	sand.u32 $0x1, s0  }
0x5: {  	s4 =	sshll.u32 s19, $0x1;
	s12 =	smul.u32 $0x9C00, s19;
	s13 =	sadd.s32 $0x28A00, s2  }
0x6: {  	s20 =	sshll.u32 s19, $0x6;
	s16 =	smul.u32 $0x4E20, s19;
	p0 =	sne.s32 s19, $0xF  }
0x7: {  	s19 =	simm.s32 $0x5;
	s5 =	sor.u32 s0, s4;
	s15 =	smul.u32 $0x9C400, s0  }
0x8: {  	s4 =	simm.s32 $0x0;
	s8 =	ssub.s32 $0x2, s0;
	s0 =	smul.u32 $0x2710, s0  }
0x9: {  	s6 =	smul.u32 $0x2710, s5;
	[smem:$0x7FF] =	sst s4;
	s5 =	sadd.s32 $0xB200, s2  }
0xa: {  	s7 =	sshrl.u32 s12, $0x3;
	s9 =	sshrl.u32 s8, $0x1;
	s18 =	sadd.s32 s12, s3  }
0xb: {  	_ =	strace $0x8000004A;
	s7 =	sadd.s32 s7, s2;
	s14 =	ssub.s32 s8, s9  }
0xc: {  	s22 =	sadd.s32 s12, s15;
	s23 =	sshrl.u32 s15, $0x3;
	s0 =	sadd.s32 s0, s16  }
0xd: {  	s18 =	sshrl.u32 s18, $0x3;
	s6 =	sshrl.u32 s6, $0x3;
	s7 =	sadd.s32 $0x15000, s7  }
0xe: {  	s24 =	sadd.s32 s13, s23;
	s25 =	sadd.s32 $0xF0, s0;
	s14 =	smax.u32 s14, $0x1  }
0xf: {  	s17 =	sadd.s32 $0xA0, s0;
	s23 =	simm.s32 $0xC3A0;
	s10 =	sadd.s32 s6, s2  }
0x10: {  	[dreg:$0x4] =	wrdreg s7;
	s7 =	sor.u32 $0x1C05, s20;
	s20 =	sadd.s32 $0x9C000, s3  }
0x11: {  	s2 =	sadd.s32 $0x28800, s2;
	s9 =	sadd.s32 s5, s6;
	s26 =	sshrl.u32 s25, $0x3  }
0x12: {  	s25 =	simm.s32 $0xC3F0;
	[dreg:$0x5] =	wrdreg s2;
	s21 =	sadd.s32 $0x1400, s10  }
0x13: {  	s11 =	sadd.s32 $0xA, s9;
	s2 =	sshrl.u32 s22, $0x3;
	s15 =	sadd.s32 $0x4D8, s9  }
0x14: {  	s16 =	sadd.s32 s26, s5;
	s20 =	sshrl.u32 @!p0 s20, $0x3;
	s22 =	simm.s32 $0xC350  }
0x15: {  	s26 =	simm.s32 $0xD7F0;
	[dreg:$0x6] =	wrdreg s21;
	s12 =	sadd.s32 s13, s2  }
0x16: {  	s13 =	sadd.s32 $0x13800, s24;
	s24 =	simm.s32 $0x50;
	s2 =	simm.s32 $0x0  }
.LBB2_1:
0x17: {  	s0 =	rddreg [dreg:$0x4]  }
0x18: {  	[spmem:s18], [sflag:s7] =	dma.local [hbm:s0], $0x1380  }
0x19: {  	_ =	swait.ge [sflag:s19], $0x1380  }
0x1a: {  	[sflag:s19] =	ssyncset.done $0x0  }
0x1b: {  	s0 =	rddreg [dreg:$0x5];
	[sflag:s19] =	ssyncadd.s32 $0xFFFFEC80  }
0x1c: {  	[spmem:s20], [sflag:s7] =	dma.local @!p0 [hbm:s0], $0x80  }
0x1d: {  	s0 =	simm.s32 @!p0 $0x5  }
0x1e: {  	_ =	swait.ge @!p0 [sflag:s0], $0x80  }
0x1f: {  	[sflag:s0] =	ssyncset.done @!p0 $0x0  }
0x20: {  	s6 =	simm.s32 $0x9C40;
	s21 =	rddreg [dreg:$0x6];
	[sflag:s0] =	ssyncadd.s32 @!p0 $0xFFFFFF80  }
0x21: {  	[tilespmem:s6], [sflag:$0x5] =	stream.linear.gather [hbm4b:s21+s4], $0x2710, $0x38;
	[tilespmem:$0xEBF0] =	vst v63  }
0x22: {  	_ =	swait.ge [sflag:s19], $0x2710  }
0x23: {  	[sflag:s19] =	ssyncset.done $0x0  }
0x24: {  	[sflag:s19] =	ssyncadd.s32 $0xFFFFD8F0  }
0x25: {  	[tilespmem:s22], [sflag:$0x5] =	stream.linear.gather [hbm4b:s9+s4], $0x50, $0x38;
	[tilespmem:$0xEBF0] =	vst v63  }
0x26: {  	_ =	swait.ge [sflag:s19], $0x50  }
0x27: {  	[sflag:s19] =	ssyncset.done $0x0  }
0x28: {  	[sflag:s19] =	ssyncadd.s32 $0xFFFFFFB0  }
0x29: {  	[tilespmem:s23], [sflag:$0x5] =	stream.linear.gather [hbm4b:s11+s4], $0x50, $0x38;
	[tilespmem:$0xEBF0] =	vst v63  }
0x2a: {  	_ =	swait.ge [sflag:s19], $0x50  }
0x2b: {  	[sflag:s19] =	ssyncset.done $0x0  }
0x2c: {  	[sflag:s19] =	ssyncadd.s32 $0xFFFFFFB0  }
0x2d: {  	[bflag:$0x0] =	sbarrier.arrive $0xFFFF  }
0x2e: {  	[tilespmem:s25], [sflag:$0x1] =	stream.indirect.gather [hbm4b:s1+s24], $0x40, s22, s24, $0xb8;
	[tilespmem:$0xEBF0] =	vst v63  }
0x2f: {  	_ = 	snop  }
0x30: {  	[tilespmem:s26], [sflag:$0x2] =	stream.indirect.gather [hbm4b:s1+s24], $0x40, s23, s24, $0xb8;
	[tilespmem:$0xEBF0] =	vst v63  }
0x31: {  	_ =	swait.ge [sflag:s28], $0x1400  }
0x32: {  	s6 =	sshrl.u32 s17, $0x3;
	[sflag:s28] =	ssyncset.done $0x0  }
0x33: {  	s0 =	sadd.s32 s5, s6;
	[sflag:s28] =	ssyncadd.s32 $0xFFFFEC00  }
0x34: {  	[tilespmem:s22], [sflag:$0x3] =	stream.linear.gather [hbm4b:s0+s4], $0x50, $0x38;
	[tilespmem:$0xEBF0] =	vst v63  }
0x35: {  	s8 =	simm.s32 $0x9C40  }
0x36: {  	[spmem:s3] =	stream.indirect.scatter.add.f32 [tilespmem:s25], [sflag:$0x5], $0x40, s8, s24, $0xb8;
	[tilespmem:$0xEBF0] =	vst v63  }
0x37: {  	_ =	swait.ge [sflag:s19], $0x1400  }
0x38: {  	[sflag:s19] =	ssyncset.done $0x0  }
0x39: {  	[sflag:s19] =	ssyncadd.s32 $0xFFFFEC00  }
0x3a: {  	_ =	swait.ge [sflag:s29], $0x50  }
0x3b: {  	[sflag:s29] =	ssyncset.done $0x0  }
0x3c: {  	[sflag:s29] =	ssyncadd.s32 $0xFFFFFFB0  }
0x3d: {  	[tilespmem:s25], [sflag:$0x1] =	stream.indirect.gather [hbm4b:s1+s24], $0x40, s22, s24, $0xb8;
	[tilespmem:$0xEBF0] =	vst v63  }
0x3e: {  	_ =	swait.ge [sflag:s30], $0x1400  }
0x3f: {  	[sflag:s30] =	ssyncset.done $0x0  }
0x40: {  	s10 =	sadd.s32 $0x0, s16;
	[sflag:s30] =	ssyncadd.s32 $0xFFFFEC00  }
0x41: {  	[tilespmem:s23], [sflag:$0x4] =	stream.linear.gather [hbm4b:s10+s4], $0x50, $0x38;
	[tilespmem:$0xEBF0] =	vst v63  }
0x42: {  	s21 =	simm.s32 $0x9C90  }
0x43: {  	[spmem:s3] =	stream.indirect.scatter.add.f32 [tilespmem:s26], [sflag:$0x5], $0x40, s21, s24, $0xb8;
	[tilespmem:$0xEBF0] =	vst v63  }
0x44: {  	_ =	swait.ge [sflag:s19], $0x1400  }
0x45: {  	[sflag:s19] =	ssyncset.done $0x0  }
0x46: {  	[sflag:s19] =	ssyncadd.s32 $0xFFFFEC00  }
0x47: {  	_ =	swait.ge [sflag:s31], $0x50  }
0x48: {  	s6 =	sadd.s32 $0xA0, s17;
	[sflag:s31] =	ssyncset.done $0x0  }
0x49: {  	s0 =	simm.s32 $0x14;
	s21 =	simm.s32 $0x9D30;
	[sflag:s31] =	ssyncadd.s32 $0xFFFFFFB0  }
.LBB2_2:
0x4a: {  	[tilespmem:s26], [sflag:$0x2] =	stream.indirect.gather [hbm4b:s1+s24], $0x40, s23, s24, $0xb8;
	[tilespmem:$0xEBF0] =	vst v63  }
0x4b: {  	s8 =	smov.u32 s0  }
0x4c: {  	p1 =	sne.s32 s0, $0x4B0;
	s0 =	sadd.s32 $0x14, s0;
	_ =	swait.ge [sflag:s28], $0x1400  }
0x4d: {  	s10 =	sshrl.u32 s6, $0x3;
	[sflag:s28] =	ssyncset.done $0x0  }
0x4e: {  	s10 =	sadd.s32 s5, s10;
	[sflag:s28] =	ssyncadd.s32 $0xFFFFEC00  }
0x4f: {  	[tilespmem:s22], [sflag:$0x3] =	stream.linear.gather [hbm4b:s10+s4], $0x50, $0x38;
	[tilespmem:$0xEBF0] =	vst v63  }
0x50: {  	s10 =	sadd.s32 $0xFFFFFFB0, s21  }
0x51: {  	[spmem:s3] =	stream.indirect.scatter.add.f32 [tilespmem:s25], [sflag:$0x5], $0x40, s10, s24, $0xb8;
	[tilespmem:$0xEBF0] =	vst v63  }
0x52: {  	_ =	swait.ge [sflag:s19], $0x1400  }
0x53: {  	[sflag:s19] =	ssyncset.done $0x0  }
0x54: {  	[sflag:s19] =	ssyncadd.s32 $0xFFFFEC00  }
0x55: {  	_ =	swait.ge [sflag:s29], $0x50  }
0x56: {  	[sflag:s29] =	ssyncset.done $0x0  }
0x57: {  	[sflag:s29] =	ssyncadd.s32 $0xFFFFFFB0  }
0x58: {  	[tilespmem:s25], [sflag:$0x1] =	stream.indirect.gather [hbm4b:s1+s24], $0x40, s22, s24, $0xb8;
	[tilespmem:$0xEBF0] =	vst v63  }
0x59: {  	_ =	swait.ge [sflag:s30], $0x1400  }
0x5a: {  	[sflag:s30] =	ssyncset.done $0x0  }
0x5b: {  	s8 =	sadd.s32 s8, s16;
	[sflag:s30] =	ssyncadd.s32 $0xFFFFEC00  }
0x5c: {  	[tilespmem:s23], [sflag:$0x4] =	stream.linear.gather [hbm4b:s8+s4], $0x50, $0x38;
	[tilespmem:$0xEBF0] =	vst v63  }
0x5d: {  	_ = 	snop  }
0x5e: {  	[spmem:s3] =	stream.indirect.scatter.add.f32 [tilespmem:s26], [sflag:$0x5], $0x40, s21, s24, $0xb8;
	[tilespmem:$0xEBF0] =	vst v63  }
0x5f: {  	_ =	swait.ge [sflag:s19], $0x1400  }
.Ltmp0:
0x60: {  	[sflag:s19] =	ssyncset.done $0x0;
	(pc) =	sbr.rel @p1 .LBB2_2-.Ltmp0, $4  }
0x61: {  	[sflag:s19] =	ssyncadd.s32 $0xFFFFEC00  }
0x62: {  	_ =	swait.ge [sflag:s31], $0x50  }
0x63: {  	[sflag:s31] =	ssyncset.done $0x0  }
0x64: {  	s6 =	sadd.s32 $0xA0, s6;
	s21 =	sadd.s32 $0xA0, s21;
	[sflag:s31] =	ssyncadd.s32 $0xFFFFFFB0  }
0x65: {  	[tilespmem:s26], [sflag:$0x2] =	stream.indirect.gather [hbm4b:s1+s24], $0x40, s23, s24, $0xb8;
	[tilespmem:$0xEBF0] =	vst v63  }
0x66: {  	_ =	swait.ge [sflag:s28], $0x1400  }
0x67: {  	[sflag:s28] =	ssyncset.done $0x0  }
0x68: {  	[sflag:s28] =	ssyncadd.s32 $0xFFFFEC00  }
0x69: {  	[tilespmem:s22], [sflag:$0x3] =	stream.linear.gather [hbm4b:s15+s4], $0x50, $0x38;
	[tilespmem:$0xEBF0] =	vst v63  }
0x6a: {  	s0 =	simm.s32 $0xC260  }
0x6b: {  	[spmem:s3] =	stream.indirect.scatter.add.f32 [tilespmem:s25], [sflag:$0x5], $0x40, s0, s24, $0xb8;
	[tilespmem:$0xEBF0] =	vst v63  }
0x6c: {  	_ =	swait.ge [sflag:s19], $0x1400  }
0x6d: {  	[sflag:s19] =	ssyncset.done $0x0  }
0x6e: {  	[sflag:s19] =	ssyncadd.s32 $0xFFFFEC00  }
0x6f: {  	_ =	swait.ge [sflag:s29], $0x50  }
0x70: {  	[sflag:s29] =	ssyncset.done $0x0  }
0x71: {  	[sflag:s29] =	ssyncadd.s32 $0xFFFFFFB0  }
0x72: {  	[tilespmem:s25], [sflag:$0x1] =	stream.indirect.gather [hbm4b:s1+s24], $0x40, s22, s24, $0xb8;
	[tilespmem:$0xEBF0] =	vst v63  }
0x73: {  	_ =	swait.ge [sflag:s30], $0x1400  }
0x74: {  	[sflag:s30] =	ssyncset.done $0x0  }
0x75: {  	s10 =	simm.s32 $0xC2B0;
	[sflag:s30] =	ssyncadd.s32 $0xFFFFEC00  }
0x76: {  	[spmem:s3] =	stream.indirect.scatter.add.f32 [tilespmem:s26], [sflag:$0x5], $0x40, s10, s24, $0xb8;
	[tilespmem:$0xEBF0] =	vst v63  }
0x77: {  	_ =	swait.ge [sflag:s19], $0x1400  }
0x78: {  	[sflag:s19] =	ssyncset.done $0x0  }
0x79: {  	[sflag:s19] =	ssyncadd.s32 $0xFFFFEC00  }
0x7a: {  	_ =	swait.ge [sflag:s28], $0x1400  }
0x7b: {  	[sflag:s28] =	ssyncset.done $0x0  }
0x7c: {  	s21 =	simm.s32 $0xC300;
	[sflag:s28] =	ssyncadd.s32 $0xFFFFEC00  }
0x7d: {  	[spmem:s3] =	stream.indirect.scatter.add.f32 [tilespmem:s25], [sflag:$0x5], $0x40, s21, s24, $0xb8;
	[tilespmem:$0xEBF0] =	vst v63  }
0x7e: {  	_ =	swait.ge [sflag:s19], $0x1400  }
0x7f: {  	[sflag:s19] =	ssyncset.done $0x0  }
0x80: {  	[sflag:s19] =	ssyncadd.s32 $0xFFFFEC00  }
0x81: {  	[bflag:$0x0] =	sbarrier.arrive $0xFFFF  }
0x82: {  	[hbm:s12], [sflag:s7] =	dma.local [spmem:s18], $0x1380  }
0x83: {  	s2 =	sadd.s32 $0x1, s2;
	_ =	swait.ge [sflag:s19], $0x1380  }
0x84: {  	p1 =	sne.s32 s2, s14;
	[sflag:s19] =	ssyncset.done $0x0  }
.Ltmp1:
0x85: {  	s0 =	simm.s32 @!p0 $0x5;
	[sflag:s19] =	ssyncadd.s32 $0xFFFFEC80;
	(pc) =	sbr.rel @p1 .LBB2_1-.Ltmp1, $4  }
0x86: {  	[hbm:s13], [sflag:s7] =	dma.local @!p0 [spmem:s20], $0x80  }
0x87: {  	_ =	swait.ge @!p0 [sflag:s0], $0x80  }
0x88: {  	[sflag:s0] =	ssyncset.done @!p0 $0x0  }
0x89: {  	[sflag:s0] =	ssyncadd.s32 @!p0 $0xFFFFFF80  }
0x8a: {  	_ =	sfence.sel $0x180000  }
0x8b: {  	[bflag:$0x0] =	sbarrier.arrive $0xFFFF  }
0x8c: {  	_ =	strace $0x9000004A  }
0x8d: {  	s0 =	stileid.u32;
	[bflag:$0x2] =	sbarrier.arrive $0xFFFF  }
0x8e: {  	p0 =	sne.s32 s0, $0x0;
	s0 =	rddreg [dreg:$0x3]  }
0x8f: {  	s0 =	sadd.s32 @!p0 $0x100000, s0  }
0x90: {  	[sflag:s0] =	ssyncadd.tile.s32 @!p0 $0x1;
	_ =	shalt  }
.Lfunc_end2:
_tile_overlayer_lowered:
.L_overlay_start_2:
0x91: {  	(tag) =	ssettag $0x2  }
0x92: {  	s0 =	rddreg [dreg:$0x0];
	s2 =	stileid.u32  }
0x93: {  	s1 =	rddreg [dreg:$0x1];
	p0 =	sne.s32 s2, $0x0  }
0x94: {  	s3 =	rddreg [dreg:$0x2];
	[bflag:$0x3] =	sbarrier.arrive $0xFFFF;
	s2 =	simm.s32 @!p0 $0x1C05  }
0x95: {  	[timem:s3], [sflag:s2] =	dma.local @!p0 [hbm:s0], s1  }
0x96: {  	s0 =	simm.s32 @!p0 $0x5  }
0x97: {  	_ =	swait.ge @!p0 [sflag:s0], s1  }
0x98: {  	s1 =	ssub.s32 @!p0 $0x0, s1;
	[sflag:s0] =	ssyncset.done @!p0 $0x0  }
0x99: {  	[sflag:s0] =	ssyncadd.s32 @!p0 s1  }
0x9a: {  	[bflag:$0x3] =	sbarrier.arrive $0xFFFF  }
0x9b: {  	_ =	shalt  }

// kernel: kernel.7.cloned.1.call-start
scs
__scs_entry_jumppad:
0x0: {  	(pc) =	sbr.rel $0x88, $3  }
0x1: {  	(tag) =	ssettag $0x0;
	lr =	simm.s32 $0x1  }
0x2: {  	[smem:$0x3F99] =	sst lr;
	_ =	strace $0xD0000000  }
0x3: {  	_ = 	snop  }
0x4: {  	_ = 	snop  }
0x5: {  	_ = 	snop  }
0x6: {  	_ = 	snop  }
0x7: {  	_ = 	snop  }
__scs_overlays_trampoline_lowered:
0x8: {  	[smem:$0x3FA8] =	sst s0  }
0x9: {  	[smem:$0x3FA9] =	sst s1  }
0xa: {  	[smem:$0x3FAA] =	sst s2  }
0xb: {  	[smem:$0x3FAB] =	sst s3  }
0xc: {  	[smem:$0x3FAC] =	sst s4  }
0xd: {  	[smem:$0x3FAD] =	sst s5  }
0xe: {  	[smem:$0x3FAE] =	sst s6  }
0xf: {  	[smem:$0x3FAF] =	sst s7  }
0x10: {  	[smem:$0x3FB0] =	sst s8  }
0x11: {  	[smem:$0x3FB1] =	sst s9;
	s0 =	simm.s32 @!p0 $0x0  }
0x12: {  	s1 =	sld [smem:$0x3F97];
	s0 =	simm.s32 @p0 $0x1  }
0x13: {  	[smem:$0x3FB2] =	sst s0;
	s0 =	simm.s32 @!p1 $0x0  }
0x14: {  	s2 =	sld [smem:$0x3F96];
	s0 =	simm.s32 @p1 $0x1  }
0x15: {  	[smem:$0x3FB3] =	sst s0;
	s0 =	simm.s32 @!p2 $0x0  }
0x16: {  	s3 =	sld [smem:$0x3FDB];
	s0 =	simm.s32 @p2 $0x1  }
0x17: {  	s4 =	simm.s32 $0x1BF5;
	[smem:$0x3FB5] =	sst s0  }
0x18: {  	s0 =	sld [smem:$0x3F98];
	_ =	swait.ge [sflag:s4], $0x0  }
0x19: {  	s7 =	sld [smem:$0x3F99]  }
0x1a: {  	s8 =	sadd.s32 $0xFFFFE003, lr  }
0x1b: {  	s9 =	sadd.s32 $0xFFFFFEF7, lr;
	s5 =	simm.s32 $0xFFFFFFFF;
	p2 =	slt.u32 s8, $0xFFFFF086  }
0x1c: {  	p1 =	slt.u32 s9, $0xF7A;
	s5 =	simm.s32 @!p2 $0x0  }
0x1d: {  	s5 =	simm.s32 @p1 $0x1;
	p0 =	seq.s32 s7, s2  }
0x1e: {  	s7 =	smul.u32 @!p0 $0xF7A, s2;
	p2 =	seq.s32 @!p0 s5, $0x0  }
0x1f: {  	s9 =	smul.u32 $0xF7A, s1;
	s8 =	simm.s32 @!p0 $0x1BF5;
	p2 =	por !p2, p0  }
0x20: {  	[sflag:s8] =	ssyncset.s32 @!p0 $0xFFFFF086;
	s6 =	sadd.s32 @!p0 s3, s7;
	s7 =	simm.s32 @!p0 $0x108  }
0x21: {  	s3 =	sadd.s32 s3, s9;
	s6 =	sadd.s32 @!p0 $0x88, s6;
	s7 =	simm.s32 @p2 $0x1082  }
0x22: {  	[simem:s7], [sflag:s8] =	dma.local @!p0 [hbm:s6], $0xF7A  }
0x23: {  	s9 =	sor.u32 $0xD0000000, s2;
	s6 =	simm.s32 $0x108;
	_ =	swait.ge @!p0 [sflag:s8], $0x0  }
0x24: {  	s3 =	sadd.s32 $0x88, s3;
	s6 =	simm.s32 @!p1 $0x1082;
	[sflag:s4] =	ssyncset.s32 $0xFFFFF086  }
0x25: {  	[simem:s6], [sflag:s4] =	dma.local [hbm:s3], $0xF7A  }
0x26: {  	[smem:$0x3F99] =	sst s1;
	(tag) =	ssettag s2;
	_ =	strace s9  }
0x27: {  	s1 =	sld [smem:$0x3FA9]  }
0x28: {  	s2 =	sld [smem:$0x3FAA]  }
0x29: {  	s4 =	sld [smem:$0x3FAC]  }
0x2a: {  	p0 =	seq.s32 s5, $0x0;
	s5 =	sld [smem:$0x3FAD]  }
0x2b: {  	s6 =	sld [smem:$0x3FAE]  }
0x2c: {  	s7 =	sld [smem:$0x3FAF]  }
0x2d: {  	s3 =	simm.s32 $0x108;
	s8 =	sld [smem:$0x3FB0]  }
0x2e: {  	s3 =	simm.s32 @!p0 $0x1082;
	s9 =	sld [smem:$0x3FB1]  }
0x2f: {  	lr =	sadd.s32 s0, s3;
	s0 =	sld [smem:$0x3FA8]  }
0x30: {  	s3 =	sld [smem:$0x3FAB]  }
0x31: {  	[smem:$0x3FB4] =	sst s10  }
0x32: {  	s10 =	sld [smem:$0x3FB2];
	_ =	sdelay $0x3  }
0x33: {  	p0 =	seq.s32 s10, $0x1;
	s10 =	sld [smem:$0x3FB4];
	_ =	sdelay $0x3  }
0x34: {  	[smem:$0x3FB4] =	sst s10  }
0x35: {  	s10 =	sld [smem:$0x3FB3];
	_ =	sdelay $0x3  }
0x36: {  	p1 =	seq.s32 s10, $0x1;
	s10 =	sld [smem:$0x3FB4];
	_ =	sdelay $0x3  }
0x37: {  	[smem:$0x3FB4] =	sst s10  }
0x38: {  	s10 =	sld [smem:$0x3FB5]  }
0x39: {  	_ = 	snop;
	(pc) =	sbr.ind lr, $3  }
0x3a: {  	_ = 	snop  }
0x3b: {  	_ = 	snop  }
0x3c: {  	p2 =	seq.s32 s10, $0x1;
	s10 =	sld [smem:$0x3FB4]  }
0x3d: {  	_ =	shalt  }
0x3e: {  	_ =	shalt  }
0x3f: {  	_ =	shalt  }
0x40: {  	_ =	shalt  }
0x41: {  	_ =	shalt  }
0x42: {  	_ =	shalt  }
0x43: {  	_ =	shalt  }
0x44: {  	_ =	shalt  }
0x45: {  	_ =	shalt  }
0x46: {  	_ =	shalt  }
0x47: {  	_ =	shalt  }
0x48: {  	_ =	shalt  }
0x49: {  	_ =	shalt  }
0x4a: {  	_ =	shalt  }
0x4b: {  	_ =	shalt  }
0x4c: {  	_ =	shalt  }
0x4d: {  	_ =	shalt  }
0x4e: {  	_ =	shalt  }
0x4f: {  	_ =	shalt  }
0x50: {  	_ =	shalt  }
0x51: {  	_ =	shalt  }
0x52: {  	_ =	shalt  }
0x53: {  	_ =	shalt  }
0x54: {  	_ =	shalt  }
0x55: {  	_ =	shalt  }
0x56: {  	_ =	shalt  }
0x57: {  	_ =	shalt  }
0x58: {  	_ =	shalt  }
0x59: {  	_ =	shalt  }
0x5a: {  	_ =	shalt  }
0x5b: {  	_ =	shalt  }
0x5c: {  	_ =	shalt  }
0x5d: {  	_ =	shalt  }
0x5e: {  	_ =	shalt  }
0x5f: {  	_ =	shalt  }
0x60: {  	_ =	shalt  }
0x61: {  	_ =	shalt  }
0x62: {  	_ =	shalt  }
0x63: {  	_ =	shalt  }
0x64: {  	_ =	shalt  }
0x65: {  	_ =	shalt  }
0x66: {  	_ =	shalt  }
0x67: {  	_ =	shalt  }
0x68: {  	_ =	shalt  }
0x69: {  	_ =	shalt  }
0x6a: {  	_ =	shalt  }
0x6b: {  	_ =	shalt  }
0x6c: {  	_ =	shalt  }
0x6d: {  	_ =	shalt  }
0x6e: {  	_ =	shalt  }
0x6f: {  	_ =	shalt  }
0x70: {  	_ =	shalt  }
0x71: {  	_ =	shalt  }
0x72: {  	_ =	shalt  }
0x73: {  	_ =	shalt  }
0x74: {  	_ =	shalt  }
0x75: {  	_ =	shalt  }
0x76: {  	_ =	shalt  }
0x77: {  	_ =	shalt  }
0x78: {  	_ =	shalt  }
0x79: {  	_ =	shalt  }
0x7a: {  	_ =	shalt  }
0x7b: {  	_ =	shalt  }
0x7c: {  	_ =	shalt  }
0x7d: {  	_ =	shalt  }
0x7e: {  	_ =	shalt  }
0x7f: {  	_ =	shalt  }
0x80: {  	_ =	shalt  }
0x81: {  	_ =	shalt  }
0x82: {  	_ =	shalt  }
0x83: {  	_ =	shalt  }
0x84: {  	_ =	shalt  }
0x85: {  	_ =	shalt  }
0x86: {  	_ =	shalt  }
0x87: {  	_ =	shalt  }
.Lfunc_end0:
.L_simem_size_0:
called_computation_lowered:
.L_overlay_start_0:
0x88: {  	s2 =	sld [smem:$0x3FD9]  }
0x89: {  	s3 =	sld [smem:$0x3FFE];
	_ =	sdelay $0x1  }
0x8a: {  	s1 =	srdreg.scid  }
0x8b: {  	s0 =	sand.u32 $0x1, s1  }
0x8c: {  	s14 =	sshll.u32 s0, $0xA;
	s2 =	sadd.s32 s3, s2  }
0x8d: {  	s2 =	sadd.s32 s2, s14  }
0x8e: {  	[smem:$0x3FC0] =	sst s2  }
0x8f: {  	_ = 	snop  }
0x90: {  	s2 =	sld [smem:$0x3FD0];
	_ =	sdelay $0x2  }
0x91: {  	s4 =	simm.s32 $0xA;
	s5 =	simm.s32 $0x10;
	s15 =	sld [smem:$0x3FC9]  }
0x92: {  	[smem:s5], [sflag:s4] =	dma.local [hbm:s2], $0x1  }
0x93: {  	_ =	swait.eq [sflag:s4], $0x1  }
0x94: {  	[sflag:s4] =	ssyncset.done $0x0  }
0x95: {  	s16 =	sld [smem:$0x10];
	[sflag:s4] =	ssyncadd.s32 $0xFFFFFFFF  }
0x96: {  	s17 =	sld [smem:$0x11];
	(tm) =	ssettm $0x1  }
0x97: {  	s18 =	sld [smem:$0x3FFB];
	_ =	sdelay $0x3  }
0x98: {  	_ =	strace s18  }
0x99: {  	s5 =	sld [smem:$0x3FFC];
	_ =	sdelay $0x3  }
0x9a: {  	_ =	strace s5  }
0x9b: {  	s5 =	sld [smem:$0x3FFD];
	_ =	sdelay $0x3  }
0x9c: {  	_ =	strace s5  }
0x9d: {  	_ =	strace $0x8FFFFFFF  }
0x9e: {  	s19 =	sld [smem:$0x3FDB];
	_ =	sdelay $0x1  }
0x9f: {  	s6 =	simm.s32 $_scs_section_size  }
0xa0: {  	s7 =	simm.s32 $_size__tile_overlayer_lowered;
	s8 =	simm.s32 $_tile_overlayer_lowered  }
0xa1: {  	s22 =	simm.s32 $0x1BFF;
	s21 =	sshll.u32 s8, $0x1;
	s5 =	sadd.s32 s6, s19  }
0xa2: {  	s9 =	simm.s32 $0x0;
	s20 =	sshll.u32 s7, $0x1;
	s7 =	sadd.s32 s21, s5  }
0xa3: {  	[timem:s9], [sflag:s22] =	dma.local [hbm:s7], s20  }
0xa4: {  	_ =	swait.ge [sflag:s22], s20  }
0xa5: {  	s6 =	ssub.s32 $0x0, s20;
	[sflag:s22] =	ssyncset.done $0x0  }
0xa6: {  	[sflag:s22] =	ssyncadd.s32 s6;
	_ =	sdelay $0x1  }
0xa7: {  	s23 =	simm.s32 $0x1B8B  }
0xa8: {  	_ =	swait.ge [sflag:s23], $0x1  }
0xa9: {  	[sflag:s23] =	ssyncset.done $0x0  }
0xaa: {  	s25 =	simm.s32 $0x1B8E;
	s24 =	sld [smem:$0x3FFE];
	[sflag:s23] =	ssyncadd.s32 $0xFFFFFFFF  }
0xab: {  	s26 =	simm.s32 $execute0_lowered;
	[smem:$0x3FD2] =	sst s25  }
0xac: {  	s7 =	sshll.u32 s26, $0x1;
	_ =	strace $0x80000046;
	[dreg:$0x1] =	wrdreg $0xFFFFFFFF  }
0xad: {  	s28 =	simm.s32 $_size_execute0_lowered;
	s5 =	sadd.s32 s5, s7;
	[dreg:$0x0] =	wrdreg $0x0  }
0xae: {  	s7 =	sshll.u32 s28, $0x1;
	[dreg:$0x2] =	wrdreg s5  }
0xaf: {  	[dreg:$0x3] =	wrdreg s7  }
0xb0: {  	[dreg:$0x4] =	wrdreg $0xC0  }
0xb1: {  	_ =	task [dreg:s9], $0x5FFFF  }
0xb2: {  	[dreg:$0x1] =	wrdreg $0xFFFFFFFF  }
0xb3: {  	[dreg:$0x0] =	wrdreg $0x60  }
0xb4: {  	[dreg:$0x2] =	wrdreg s15  }
0xb5: {  	[dreg:$0x3] =	wrdreg s24  }
0xb6: {  	[dreg:$0x4] =	wrdreg s16  }
0xb7: {  	[dreg:$0x5] =	wrdreg s17  }
0xb8: {  	[dreg:$0x6] =	wrdreg $0x0  }
0xb9: {  	[dreg:$0x7] =	wrdreg $0x9  }
0xba: {  	_ =	task.clear_ibuf [dreg:s9], $0x8FFFF;
	_ =	strace $0x90000046  }
0xbb: {  	s29 =	simm.s32 $0x9;
	_ =	strace $0x80000048  }
0xbc: {  	_ =	swait.ge [sflag:s29], $0x1  }
0xbd: {  	[sflag:s29] =	ssyncadd.s32 $0xFFFFFFFF  }
0xbe: {  	_ =	strace $0x90000048  }
0xbf: {  	_ =	sfence  }
0xc0: {  	s30 =	sld [smem:$0x0];
	_ =	sdelay $0x2  }
0xc1: {  	s31 =	sshll.u32 s1, $0xD;
	s1 =	sshrl.u32 s1, $0x2  }
0xc2: {  	s3 =	sand.u32 $0x4000, s31;
	s1 =	sadd.s32 s1, s30  }
0xc3: {  	s0 =	sor.u32 s3, s0;
	s1 =	sshll.u32 s1, $0x11  }
0xc4: {  	s0 =	sor.u32 s1, s0  }
0xc5: {  	s0 =	sadd.s32 $0x8F2B, s0  }
0xc6: {  	[sflag:s0] =	ssyncadd.remote.s32 $0x1  }
0xc7: {  	_ =	sfence.sel $0xFFFF  }
0xc8: {  	[dreg:$0x0] =	wrdreg $0xFFFFFFFF;
	(pc) =	sbr.abs _section_cstart, $3  }
0xc9: {  	[dreg:$0x1] =	wrdreg $0xFFFFFFFF  }
0xca: {  	_ =	task.clear_ibuf [dreg:s9], $0x2FFFF;
	_ =	strace $0x9FFFFFFF  }
0xcb: {  	(tm) =	ssettm $0x7FFFFFFF  }
tec
execute0_lowered:
.L_overlay_start_1:
0x0: {  	(tag) =	ssettag $0x1  }
0x1: {  	s0 =	rddreg [dreg:$0x0]  }
0x2: {  	s1 =	rddreg [dreg:$0x1]  }
0x3: {  	s2 =	rddreg [dreg:$0x3]  }
0x4: {  	s3 =	srdreg.scid;
	s14 =	stileid.u32  }
0x5: {  	s4 =	rddreg [dreg:$0x4];
	s5 =	simm.s32 $0x0;
	s28 =	simm.s32 $0x1DAB0  }
0x6: {  	s29 =	simm.s32 $0x50;
	s30 =	simm.s32 $0x162B0;
	s31 =	simm.s32 $0x18AB0  }
0x7: {  	s3 =	sand.u32 $0x1, s3;
	s6 =	sshll.u32 s14, $0x1;
	[smem:$0x7FF] =	sst s5  }
0x8: {  	s10 =	smul.u32 $0x13800, s14;
	s15 =	sadd.s32 $0x15000, s1;
	s13 =	sshll.u32 s14, $0x6  }
0x9: {  	s22 =	sadd.s32 $0x138000, s4;
	s23 =	smul.u32 $0x4E20, s14;
	p0 =	sne.s32 s14, $0xF  }
0xa: {  	s6 =	sor.u32 s3, s6;
	_ =	strace $0x80000047;
	s21 =	smul.u32 $0x13B000, s3  }
0xb: {  	s8 =	ssub.s32 $0x2, s3;
	[dreg:$0x6] =	wrdreg s15;
	s3 =	smul.u32 $0x2710, s3  }
0xc: {  	[dreg:$0x8] =	wrdreg s22;
	s22 =	simm.s32 $0x5;
	s7 =	smul.u32 $0x2710, s6  }
0xd: {  	s6 =	sadd.s32 $0xB200, s1;
	s9 =	sshrl.u32 s8, $0x1;
	s20 =	sshrl.u32 s10, $0x3  }
0xe: {  	s12 =	sadd.s32 s10, s4;
	s8 =	ssub.s32 s8, s9;
	s9 =	sadd.s32 s15, s20  }
0xf: {  	s24 =	sadd.s32 s10, s21;
	s25 =	sshrl.u32 s21, $0x3;
	s21 =	sshrl.u32 s12, $0x3  }
0x10: {  	s7 =	sshrl.u32 s7, $0x3;
	[dreg:$0x7] =	wrdreg s9;
	s9 =	sor.u32 $0x1C05, s13  }
0x11: {  	s10 =	sadd.s32 s2, s25;
	s17 =	smax.u32 s8, $0x1;
	s25 =	simm.s32 $0x16260  }
0x12: {  	s8 =	simm.s32 $0x0;
	s11 =	sadd.s32 s7, s1;
	s1 =	sadd.s32 $0x3C000, s1  }
0x13: {  	s13 =	sadd.s32 s6, s7;
	s16 =	sadd.s32 $0x27000, s10;
	[dreg:$0x9] =	wrdreg s1  }
0x14: {  	s11 =	sadd.s32 $0x1400, s11;
	s7 =	sadd.s32 $0xA, s13;
	s1 =	sadd.s32 s3, s23  }
0x15: {  	s18 =	sadd.s32 $0x4D8, s13;
	s3 =	simm.s32 $0x1;
	[dreg:$0xa] =	wrdreg s11  }
0x16: {  	s23 =	simm.s32 $0x4;
	[dreg:$0xb] =	wrdreg s7;
	s7 =	sshrl.u32 s24, $0x3  }
0x17: {  	s26 =	sadd.s32 $0xF0, s1;
	s11 =	sadd.s32 $0xA0, s1;
	s24 =	simm.s32 $0x16210  }
0x18: {  	s1 =	simm.s32 $0x3;
	s15 =	sadd.s32 s2, s7;
	s2 =	sshrl.u32 s26, $0x3  }
0x19: {  	v0 =	vimm.f32 $1.000000000e+00;
	s26 =	simm.s32 $0x1B2B0;
	s19 =	sadd.s32 s2, s6;
	s2 =	simm.s32 $0x2  }
.LBB2_1:
0x1a: {  	s7 =	rddreg [dreg:$0x7]  }
0x1b: {  	[spmem:s21], [sflag:s9] =	dma.local [hbm:s7], $0x2700  }
0x1c: {  	_ =	swait.ge [sflag:s22], $0x2700  }
0x1d: {  	[sflag:s22] =	ssyncset.done $0x0;
	s7 =	rddreg [dreg:$0x8]  }
0x1e: {  	s10 =	rddreg [dreg:$0x9];
	[sflag:s22] =	ssyncadd.s32 $0xFFFFD900;
	s7 =	sshrl.u32 @!p0 s7, $0x3  }
0x1f: {  	[spmem:s7], [sflag:s9] =	dma.local @!p0 [hbm:s10], $0x600  }
0x20: {  	s10 =	simm.s32 @!p0 $0x5  }
0x21: {  	_ =	swait.ge @!p0 [sflag:s10], $0x600  }
0x22: {  	[sflag:s10] =	ssyncset.done @!p0 $0x0  }
0x23: {  	s12 =	simm.s32 $0x13B00;
	s20 =	rddreg [dreg:$0xa];
	[sflag:s10] =	ssyncadd.s32 @!p0 $0xFFFFFA00  }
0x24: {  	[tilespmem:s12], [sflag:$0x5] =	stream.linear.gather [hbm4b:s20+s5], $0x2710, $0x38;
	[tilespmem:$0x1DB00] =	vst v63  }
0x25: {  	_ =	swait.ge [sflag:s22], $0x2710  }
0x26: {  	[sflag:s22] =	ssyncset.done $0x0  }
0x27: {  	[sflag:s22] =	ssyncadd.s32 $0xFFFFD8F0  }
0x28: {  	[tilespmem:s24], [sflag:$0x5] =	stream.linear.gather [hbm4b:s13+s5], $0x50, $0x38;
	[tilespmem:$0x1DB00] =	vst v63  }
0x29: {  	_ =	swait.ge [sflag:s22], $0x50  }
0x2a: {  	[sflag:s22] =	ssyncset.done $0x0  }
0x2b: {  	s12 =	rddreg [dreg:$0xb];
	[sflag:s22] =	ssyncadd.s32 $0xFFFFFFB0  }
0x2c: {  	[tilespmem:s25], [sflag:$0x5] =	stream.linear.gather [hbm4b:s12+s5], $0x50, $0x38;
	[tilespmem:$0x1DB00] =	vst v63  }
0x2d: {  	_ =	swait.ge [sflag:s22], $0x50  }
0x2e: {  	[sflag:s22] =	ssyncset.done $0x0  }
0x2f: {  	s14 =	rddreg [dreg:$0x6];
	[sflag:s22] =	ssyncadd.s32 $0xFFFFFFB0  }
0x30: {  	[tilespmem:s26], [sflag:$0x5] =	stream.linear.gather [hbm4b:s14+s5], $0x2800, $0x38;
	[tilespmem:$0x1DB00] =	vst v63  }
0x31: {  	_ =	swait.ge [sflag:s22], $0x2800  }
0x32: {  	[sflag:s22] =	ssyncset.done $0x0  }
0x33: {  	[sflag:s22] =	ssyncadd.s32 $0xFFFFD800  }
0x34: {  	s20 =	rddreg [dreg:$0x2]  }
0x35: {  	[tilespmem:s28], [sflag:$0x5] =	stream.linear.gather [hbm4b:s20+s5], $0x50, $0x38;
	[tilespmem:$0x1DB00] =	vst v63  }
0x36: {  	_ =	swait.ge [sflag:s22], $0x50  }
0x37: {  	[sflag:s22] =	ssyncset.done $0x0  }
0x38: {  	[sflag:s22] =	ssyncadd.s32 $0xFFFFFFB0  }
0x39: {  	[bflag:$0x0] =	sbarrier.arrive $0xFFFF  }
0x3a: {  	[tilespmem:s30], [sflag:$0x1] =	stream.indirect.gather [hbm4b:s0+s29], $0x80, s24, s29, $0xb8;
	[tilespmem:$0x1DB00] =	vst v63  }
0x3b: {  	s10 =	simm.s32 $0x13B50;
	s12 =	simm.s32 $0x0;
	s20 =	smov.u32 s11  }
0x3c: {  	[tilespmem:s31], [sflag:$0x2] =	stream.indirect.gather [hbm4b:s0+s29], $0x80, s25, s29, $0xb8;
	[tilespmem:$0x1DB00] =	vst v63  }
.LBB2_2:
0x3d: {  	_ =	swait.ge [sflag:s3], $0x2800  }
0x3e: {  	s14 =	sshrl.u32 s20, $0x3;
	[sflag:s3] =	ssyncset.done $0x0  }
0x3f: {  	s14 =	sadd.s32 s6, s14;
	[sflag:s3] =	ssyncadd.s32 $0xFFFFD800  }
0x40: {  	[tilespmem:s24], [sflag:$0x3] =	stream.linear.gather [hbm4b:s14+s5], $0x50, $0x38;
	[tilespmem:$0x1DB00] =	vst v63  }
0x41: {  	s14 =	sadd.s32 $0xFFFFFFB0, s10  }
0x42: {  	[spmem:s4] =	stream.indirect.scatter.add.f32 [tilespmem:s30], [sflag:$0x5], $0x80, s14, s29, $0xb8;
	[tilespmem:$0x1DB00] =	vst v63  }
0x43: {  	_ =	swait.ge [sflag:s22], $0x2800  }
0x44: {  	[sflag:s22] =	ssyncset.done $0x0  }
0x45: {  	[sflag:s22] =	ssyncadd.s32 $0xFFFFD800  }
0x46: {  	v1 =	vld [tilespmem:s10+$0xFFFFFFB0];
	_ =	sdelay $0x7  }
0x47: {  	[tilespmem:v1+s26+$0x0] =	vst.idx.add.f32.msk $0xffff, v0  }
0x48: {  	v1 =	vld [tilespmem:s10+$0xFFFFFFC0];
	_ =	sdelay $0x7  }
0x49: {  	[tilespmem:v1+s26+$0x0] =	vst.idx.add.f32.msk $0xffff, v0  }
0x4a: {  	v1 =	vld [tilespmem:s10+$0xFFFFFFD0];
	_ =	sdelay $0x7  }
0x4b: {  	[tilespmem:v1+s26+$0x0] =	vst.idx.add.f32.msk $0xffff, v0  }
0x4c: {  	v1 =	vld [tilespmem:s10+$0xFFFFFFE0];
	_ =	sdelay $0x7  }
0x4d: {  	[tilespmem:v1+s26+$0x0] =	vst.idx.add.f32.msk $0xffff, v0  }
0x4e: {  	v1 =	vld [tilespmem:s10+$0xFFFFFFF0];
	_ =	sdelay $0x7  }
0x4f: {  	[tilespmem:v1+s26+$0x0] =	vst.idx.add.f32.msk $0xffff, v0  }
0x50: {  	_ =	swait.ge [sflag:s1], $0x50  }
0x51: {  	[sflag:s1] =	ssyncset.done $0x0  }
0x52: {  	[sflag:s1] =	ssyncadd.s32 $0xFFFFFFB0  }
0x53: {  	[tilespmem:s30], [sflag:$0x1] =	stream.indirect.gather [hbm4b:s0+s29], $0x80, s24, s29, $0xb8;
	[tilespmem:$0x1DB00] =	vst v63  }
0x54: {  	_ =	swait.ge [sflag:s2], $0x2800  }
0x55: {  	[sflag:s2] =	ssyncset.done $0x0  }
0x56: {  	s14 =	sadd.s32 s12, s19;
	[sflag:s2] =	ssyncadd.s32 $0xFFFFD800  }
0x57: {  	[tilespmem:s25], [sflag:$0x4] =	stream.linear.gather [hbm4b:s14+s5], $0x50, $0x38;
	[tilespmem:$0x1DB00] =	vst v63  }
0x58: {  	_ = 	snop  }
0x59: {  	[spmem:s4] =	stream.indirect.scatter.add.f32 [tilespmem:s31], [sflag:$0x5], $0x80, s10, s29, $0xb8;
	[tilespmem:$0x1DB00] =	vst v63  }
0x5a: {  	_ =	swait.ge [sflag:s22], $0x2800  }
0x5b: {  	[sflag:s22] =	ssyncset.done $0x0  }
0x5c: {  	[sflag:s22] =	ssyncadd.s32 $0xFFFFD800  }
0x5d: {  	v1 =	vld [tilespmem:s10+$0x0];
	_ =	sdelay $0x7  }
0x5e: {  	[tilespmem:v1+s26+$0x0] =	vst.idx.add.f32.msk $0xffff, v0  }
0x5f: {  	v1 =	vld [tilespmem:s10+$0x10];
	_ =	sdelay $0x7  }
0x60: {  	[tilespmem:v1+s26+$0x0] =	vst.idx.add.f32.msk $0xffff, v0  }
0x61: {  	v1 =	vld [tilespmem:s10+$0x20];
	_ =	sdelay $0x7  }
0x62: {  	[tilespmem:v1+s26+$0x0] =	vst.idx.add.f32.msk $0xffff, v0  }
0x63: {  	v1 =	vld [tilespmem:s10+$0x30];
	_ =	sdelay $0x7  }
0x64: {  	[tilespmem:v1+s26+$0x0] =	vst.idx.add.f32.msk $0xffff, v0  }
0x65: {  	v1 =	vld [tilespmem:s10+$0x40];
	_ =	sdelay $0x6  }
0x66: {  	p1 =	sne.s32 s12, $0x4B0  }
.Ltmp0:
0x67: {  	[tilespmem:v1+s26+$0x0] =	vst.idx.add.f32.msk $0xffff, v0;
	(pc) =	sbr.rel @p1 .LBB2_2-.Ltmp0, $4  }
0x68: {  	_ =	swait.ge [sflag:s23], $0x50  }
0x69: {  	s20 =	sadd.s32 $0xA0, s20;
	[sflag:s23] =	ssyncset.done $0x0  }
0x6a: {  	s12 =	sadd.s32 $0x14, s12;
	s10 =	sadd.s32 $0xA0, s10;
	[sflag:s23] =	ssyncadd.s32 $0xFFFFFFB0  }
0x6b: {  	[tilespmem:s31], [sflag:$0x2] =	stream.indirect.gather [hbm4b:s0+s29], $0x80, s25, s29, $0xb8;
	[tilespmem:$0x1DB00] =	vst v63  }
0x6c: {  	_ =	swait.ge [sflag:s3], $0x2800  }
0x6d: {  	[sflag:s3] =	ssyncset.done $0x0  }
0x6e: {  	[sflag:s3] =	ssyncadd.s32 $0xFFFFD800  }
0x6f: {  	[tilespmem:s24], [sflag:$0x3] =	stream.linear.gather [hbm4b:s18+s5], $0x50, $0x38;
	[tilespmem:$0x1DB00] =	vst v63  }
0x70: {  	s10 =	simm.s32 $0x16120  }
0x71: {  	[spmem:s4] =	stream.indirect.scatter.add.f32 [tilespmem:s30], [sflag:$0x5], $0x80, s10, s29, $0xb8;
	[tilespmem:$0x1DB00] =	vst v63  }
0x72: {  	_ =	swait.ge [sflag:s22], $0x2800  }
0x73: {  	[sflag:s22] =	ssyncset.done $0x0  }
0x74: {  	[sflag:s22] =	ssyncadd.s32 $0xFFFFD800  }
0x75: {  	v1 =	vld [tilespmem:$0x16120];
	_ =	sdelay $0x7  }
0x76: {  	[tilespmem:v1+s26+$0x0] =	vst.idx.add.f32.msk $0xffff, v0  }
0x77: {  	v1 =	vld [tilespmem:$0x16130];
	_ =	sdelay $0x7  }
0x78: {  	[tilespmem:v1+s26+$0x0] =	vst.idx.add.f32.msk $0xffff, v0  }
0x79: {  	v1 =	vld [tilespmem:$0x16140];
	_ =	sdelay $0x7  }
0x7a: {  	[tilespmem:v1+s26+$0x0] =	vst.idx.add.f32.msk $0xffff, v0  }
0x7b: {  	v1 =	vld [tilespmem:$0x16150];
	_ =	sdelay $0x7  }
0x7c: {  	[tilespmem:v1+s26+$0x0] =	vst.idx.add.f32.msk $0xffff, v0  }
0x7d: {  	v1 =	vld [tilespmem:$0x16160];
	_ =	sdelay $0x7  }
0x7e: {  	[tilespmem:v1+s26+$0x0] =	vst.idx.add.f32.msk $0xffff, v0  }
0x7f: {  	_ =	swait.ge [sflag:s1], $0x50  }
0x80: {  	[sflag:s1] =	ssyncset.done $0x0  }
0x81: {  	[sflag:s1] =	ssyncadd.s32 $0xFFFFFFB0  }
0x82: {  	[tilespmem:s30], [sflag:$0x1] =	stream.indirect.gather [hbm4b:s0+s29], $0x80, s24, s29, $0xb8;
	[tilespmem:$0x1DB00] =	vst v63  }
0x83: {  	_ =	swait.ge [sflag:s2], $0x2800  }
0x84: {  	[sflag:s2] =	ssyncset.done $0x0  }
0x85: {  	s14 =	simm.s32 $0x16170;
	[sflag:s2] =	ssyncadd.s32 $0xFFFFD800  }
0x86: {  	[spmem:s4] =	stream.indirect.scatter.add.f32 [tilespmem:s31], [sflag:$0x5], $0x80, s14, s29, $0xb8;
	[tilespmem:$0x1DB00] =	vst v63  }
0x87: {  	_ =	swait.ge [sflag:s22], $0x2800  }
0x88: {  	[sflag:s22] =	ssyncset.done $0x0  }
0x89: {  	[sflag:s22] =	ssyncadd.s32 $0xFFFFD800  }
0x8a: {  	v1 =	vld [tilespmem:$0x16170];
	_ =	sdelay $0x7  }
0x8b: {  	[tilespmem:v1+s26+$0x0] =	vst.idx.add.f32.msk $0xffff, v0  }
0x8c: {  	v1 =	vld [tilespmem:$0x16180];
	_ =	sdelay $0x7  }
0x8d: {  	[tilespmem:v1+s26+$0x0] =	vst.idx.add.f32.msk $0xffff, v0  }
0x8e: {  	v1 =	vld [tilespmem:$0x16190];
	_ =	sdelay $0x7  }
0x8f: {  	[tilespmem:v1+s26+$0x0] =	vst.idx.add.f32.msk $0xffff, v0  }
0x90: {  	v1 =	vld [tilespmem:$0x161A0];
	_ =	sdelay $0x7  }
0x91: {  	[tilespmem:v1+s26+$0x0] =	vst.idx.add.f32.msk $0xffff, v0  }
0x92: {  	v1 =	vld [tilespmem:$0x161B0];
	_ =	sdelay $0x7  }
0x93: {  	[tilespmem:v1+s26+$0x0] =	vst.idx.add.f32.msk $0xffff, v0  }
0x94: {  	_ =	swait.ge [sflag:s3], $0x2800  }
0x95: {  	[sflag:s3] =	ssyncset.done $0x0  }
0x96: {  	s20 =	simm.s32 $0x161C0;
	[sflag:s3] =	ssyncadd.s32 $0xFFFFD800  }
0x97: {  	[spmem:s4] =	stream.indirect.scatter.add.f32 [tilespmem:s30], [sflag:$0x5], $0x80, s20, s29, $0xb8;
	[tilespmem:$0x1DB00] =	vst v63  }
0x98: {  	_ =	swait.ge [sflag:s22], $0x2800  }
0x99: {  	[sflag:s22] =	ssyncset.done $0x0  }
0x9a: {  	[sflag:s22] =	ssyncadd.s32 $0xFFFFD800  }
0x9b: {  	v1 =	vld [tilespmem:$0x161C0];
	_ =	sdelay $0x7  }
0x9c: {  	[tilespmem:v1+s26+$0x0] =	vst.idx.add.f32.msk $0xffff, v0  }
0x9d: {  	v1 =	vld [tilespmem:$0x161D0];
	_ =	sdelay $0x7  }
0x9e: {  	[tilespmem:v1+s26+$0x0] =	vst.idx.add.f32.msk $0xffff, v0  }
0x9f: {  	v1 =	vld [tilespmem:$0x161E0];
	_ =	sdelay $0x7  }
0xa0: {  	[tilespmem:v1+s26+$0x0] =	vst.idx.add.f32.msk $0xffff, v0  }
0xa1: {  	v1 =	vld [tilespmem:$0x161F0];
	_ =	sdelay $0x7  }
0xa2: {  	[tilespmem:v1+s26+$0x0] =	vst.idx.add.f32.msk $0xffff, v0  }
0xa3: {  	v1 =	vld [tilespmem:$0x16200];
	_ =	sdelay $0x7  }
0xa4: {  	[tilespmem:v1+s26+$0x0] =	vst.idx.add.f32.msk $0xffff, v0  }
0xa5: {  	[spmem:s4] =	stream.indirect.scatter.add.f32 [tilespmem:s26], [sflag:$0x5], $0x80, s28, s29, $0xb8;
	[tilespmem:$0x1DB00] =	vst v63  }
0xa6: {  	_ =	swait.ge [sflag:s22], $0x2800  }
0xa7: {  	[sflag:s22] =	ssyncset.done $0x0  }
0xa8: {  	[sflag:s22] =	ssyncadd.s32 $0xFFFFD800  }
0xa9: {  	[bflag:$0x0] =	sbarrier.arrive $0xFFFF  }
0xaa: {  	[hbm:s15], [sflag:s9] =	dma.local [spmem:s21], $0x2700  }
0xab: {  	_ =	swait.ge [sflag:s22], $0x2700  }
0xac: {  	s8 =	sadd.s32 $0x1, s8;
	[sflag:s22] =	ssyncset.done $0x0  }
0xad: {  	p1 =	sne.s32 s8, s17;
	[sflag:s22] =	ssyncadd.s32 $0xFFFFD900  }
0xae: {  	[hbm:s16], [sflag:s9] =	dma.local @!p0 [spmem:s7], $0x600  }
.Ltmp1:
0xaf: {  	_ = 	snop;
	(pc) =	sbr.rel @p1 .LBB2_1-.Ltmp1, $4  }
0xb0: {  	s7 =	simm.s32 @!p0 $0x5  }
0xb1: {  	_ =	swait.ge @!p0 [sflag:s7], $0x600  }
0xb2: {  	[sflag:s7] =	ssyncset.done @!p0 $0x0  }
0xb3: {  	[sflag:s7] =	ssyncadd.s32 @!p0 $0xFFFFFA00  }
0xb4: {  	_ =	sfence.sel $0x180000  }
0xb5: {  	[bflag:$0x0] =	sbarrier.arrive $0xFFFF  }
0xb6: {  	_ =	strace $0x90000047  }
0xb7: {  	s0 =	stileid.u32;
	[bflag:$0x2] =	sbarrier.arrive $0xFFFF  }
0xb8: {  	p0 =	sne.s32 s0, $0x0;
	s0 =	rddreg [dreg:$0x5]  }
0xb9: {  	s0 =	sadd.s32 @!p0 $0x100000, s0  }
0xba: {  	[sflag:s0] =	ssyncadd.tile.s32 @!p0 $0x1;
	_ =	shalt  }
.Lfunc_end2:
_tile_overlayer_lowered:
.L_overlay_start_2:
0xbb: {  	(tag) =	ssettag $0x2  }
0xbc: {  	s0 =	rddreg [dreg:$0x0];
	s2 =	stileid.u32  }
0xbd: {  	s1 =	rddreg [dreg:$0x1];
	p0 =	sne.s32 s2, $0x0  }
0xbe: {  	s3 =	rddreg [dreg:$0x2];
	[bflag:$0x3] =	sbarrier.arrive $0xFFFF;
	s2 =	simm.s32 @!p0 $0x1C05  }
0xbf: {  	[timem:s3], [sflag:s2] =	dma.local @!p0 [hbm:s0], s1  }
0xc0: {  	s0 =	simm.s32 @!p0 $0x5  }
0xc1: {  	_ =	swait.ge @!p0 [sflag:s0], s1  }
0xc2: {  	s1 =	ssub.s32 @!p0 $0x0, s1;
	[sflag:s0] =	ssyncset.done @!p0 $0x0  }
0xc3: {  	[sflag:s0] =	ssyncadd.s32 @!p0 s1  }
0xc4: {  	[bflag:$0x3] =	sbarrier.arrive $0xFFFF  }
0xc5: {  	_ =	shalt  }

</sc_bundles>
